<compile_context>
chip_gen: v7x
topology: tpu7x:2x2x1
jax: 0.10.2.dev20260603
libtpu: 0.0.44.dev20260713+nightly
codegen_flags: <defaults>
</compile_context>

<pallas_src>
import functools

import jax
import jax.numpy as jnp
from jax import lax
from jax.experimental import pallas as pl
from jax.experimental.pallas import tpu as pltpu
from jax.experimental.pallas import tpu_sc as plsc

B, N, S = 8, 4096, 1024
D1, D2 = 64, 128
C_IN = D1 + D2
M0, M1 = 128, 128
P = B * N

TN = 1024
TP = 4096
NB = N // TN
PB = P // TP
SA = B * NB

NW = 32
QW = P // NW
CQ = 128
NCH = QW // CQ

_BIG = 1e30


def _k1(xyz1_ref, xyz2t_ref, idx_ref, w_ref):
    a = xyz1_ref[0]
    bt = xyz2t_ref[0]
    dist = jnp.zeros((TN, S), jnp.float32)
    for d in range(3):
        diff = a[:, d:d + 1] - bt[d:d + 1, :]
        dist = dist + diff * diff

    iota = lax.broadcasted_iota(jnp.int32, (TN, S), 1)
    base = pl.program_id(0) * S
    dcur = dist
    ws = []
    idxs = []
    wsum = None
    for k in range(3):
        mk = jnp.min(dcur, axis=1, keepdims=True)
        eq = dcur == mk
        ik = jnp.min(jnp.where(eq, iota, S), axis=1, keepdims=True)
        wk = 1.0 / (mk + 1e-8)
        if k < 2:
            dcur = jnp.where(iota == ik, _BIG, dcur)
        ws.append(wk)
        idxs.append(ik + base)
        wsum = wk if k == 0 else wsum + wk

    idx_ref[0] = jnp.concatenate(idxs, axis=1)
    w_ref[0] = jnp.concatenate([w / wsum for w in ws], axis=1)


def _sc_interp(idx_hbm, w_hbm, table_hbm, out_hbm,
               idx_v0, idx_v1, w_v0, w_v1, rows_v0, rows_v1, acc_v,
               sem0, sem1):
    wid = lax.axis_index("s") * 2 + lax.axis_index("c")
    wbase = wid * QW
    idx_vs = (idx_v0, idx_v1)
    w_vs = (w_v0, w_v1)
    rows_vs = (rows_v0, rows_v1)
    sems = (sem0, sem1)

    def start(ch, slot):
        cb = (wbase + ch * CQ) * 3
        pltpu.sync_copy(idx_hbm.at[pl.ds(cb, 3 * CQ)], idx_vs[slot])
        pltpu.sync_copy(w_hbm.at[pl.ds(cb, 3 * CQ)],
                        w_vs[slot].at[pl.ds(0, 3 * CQ)])
        pltpu.async_copy(table_hbm.at[idx_vs[slot]], rows_vs[slot], sems[slot])

    def finish(ch, slot):
        pltpu.make_async_copy(table_hbm.at[idx_vs[slot]], rows_vs[slot],
                              sems[slot]).wait()
        w_v = w_vs[slot]
        rows_v = rows_vs[slot]

        def q_body(q):
            r = q * 3
            wvec = w_v[pl.ds(r, 16)]
            for j in range(D2 // 16):
                acc = rows_v[r, pl.ds(16 * j, 16)] * wvec[0]
                acc = acc + rows_v[r + 1, pl.ds(16 * j, 16)] * wvec[1]
                acc = acc + rows_v[r + 2, pl.ds(16 * j, 16)] * wvec[2]
                acc_v[q, pl.ds(16 * j, 16)] = acc

        pl.loop(0, CQ)(q_body)
        pltpu.sync_copy(acc_v, out_hbm.at[pl.ds(wbase + ch * CQ, CQ)])

    start(0, 0)

    def chunk_pair(cp):
        start(cp + 1, 1)
        finish(cp, 0)
        start(jnp.minimum(cp + 2, NCH - 1), 0)
        finish(cp + 1, 1)

    pl.loop(0, NCH, step=2)(chunk_pair)
    pltpu.make_async_copy(table_hbm.at[idx_v0], rows_v0, sem0).wait()


def _bn(h, s, ss, g, be):
    m = s * (1.0 / P)
    v = ss * (1.0 / P) - m * m
    rstd = lax.rsqrt(v + 1e-5)
    return (h - m) * (rstd * g) + be


def _k3(p1_ref, interp_ref, w1at_ref, w1bt_ref, b1_ref,
        g1_ref, be1_ref, w2t_ref, b2_ref, g2_ref, be2_ref,
        out_ref, h1s, s1_ref, ss1_ref, s2_ref, ss2_ref):
    t = pl.program_id(0)

    @pl.when(t == 0)
    def _():
        s1_ref[...] = jnp.zeros_like(s1_ref)
        ss1_ref[...] = jnp.zeros_like(ss1_ref)
        s2_ref[...] = jnp.zeros_like(s2_ref)
        ss2_ref[...] = jnp.zeros_like(ss2_ref)

    @pl.when(t < PB)
    def _phase_a():
        h1 = (jnp.dot(p1_ref[...], w1at_ref[...],
                      preferred_element_type=jnp.float32)
              + jnp.dot(interp_ref[...], w1bt_ref[...],
                        preferred_element_type=jnp.float32)
              + b1_ref[...])
        h1s[pl.ds(pl.multiple_of(t * TP, TP), TP), :] = h1
        s1_ref[...] += jnp.sum(h1, axis=0, keepdims=True)
        ss1_ref[...] += jnp.sum(h1 * h1, axis=0, keepdims=True)

    @pl.when((t >= PB) & (t < 2 * PB))
    def _phase_b():
        off = pl.multiple_of((t - PB) * TP, TP)
        h1 = h1s[pl.ds(off, TP), :]
        a1 = jnp.maximum(_bn(h1, s1_ref[...], ss1_ref[...],
                             g1_ref[...], be1_ref[...]), 0.0)
        h2 = jnp.dot(a1, w2t_ref[...],
                     preferred_element_type=jnp.float32) + b2_ref[...]
        s2_ref[...] += jnp.sum(h2, axis=0, keepdims=True)
        ss2_ref[...] += jnp.sum(h2 * h2, axis=0, keepdims=True)

    @pl.when(t >= 2 * PB)
    def _phase_c():
        off = pl.multiple_of((t - 2 * PB) * TP, TP)
        h1 = h1s[pl.ds(off, TP), :]
        a1 = jnp.maximum(_bn(h1, s1_ref[...], ss1_ref[...],
                             g1_ref[...], be1_ref[...]), 0.0)
        h2 = jnp.dot(a1, w2t_ref[...],
                     preferred_element_type=jnp.float32) + b2_ref[...]
        out_ref[...] = jnp.maximum(_bn(h2, s2_ref[...], ss2_ref[...],
                                       g2_ref[...], be2_ref[...]), 0.0)


def kernel(xyz1, xyz2, points1, points2, W1, b1, g1, be1, W2, b2, g2, be2):
    xyz2t = jnp.transpose(xyz2, (0, 2, 1))
    w1at = jnp.transpose(W1[:, :D1])
    w1bt = jnp.transpose(W1[:, D1:])
    w2t = jnp.transpose(W2)
    row = lambda v: v.reshape(1, -1)

    idx3, w3 = pl.pallas_call(
        _k1,
        grid=(B, NB),
        in_specs=[
            pl.BlockSpec((1, TN, 3), lambda b, n: (b, n, 0)),
            pl.BlockSpec((1, 3, S), lambda b, n: (b, 0, 0)),
        ],
        out_specs=[
            pl.BlockSpec((1, TN, 3), lambda b, n: (b, n, 0)),
            pl.BlockSpec((1, TN, 3), lambda b, n: (b, n, 0)),
        ],
        out_shape=[
            jax.ShapeDtypeStruct((B, N, 3), jnp.int32),
            jax.ShapeDtypeStruct((B, N, 3), jnp.float32),
        ],
    )(xyz1, xyz2t)

    idx_flat = idx3.reshape(3 * P)
    w_flat = w3.reshape(3 * P)
    table = points2.reshape(B * S, D2)

    mesh = plsc.VectorSubcoreMesh(core_axis_name="c", subcore_axis_name="s")
    interp = functools.partial(
        pl.kernel,
        mesh=mesh,
        out_type=jax.ShapeDtypeStruct((P, D2), jnp.float32),
        scratch_types=[
            pltpu.VMEM((3 * CQ,), jnp.int32),
            pltpu.VMEM((3 * CQ,), jnp.int32),
            pltpu.VMEM((3 * CQ + 16,), jnp.float32),
            pltpu.VMEM((3 * CQ + 16,), jnp.float32),
            pltpu.VMEM((3 * CQ, D2), jnp.float32),
            pltpu.VMEM((3 * CQ, D2), jnp.float32),
            pltpu.VMEM((CQ, D2), jnp.float32),
            pltpu.SemaphoreType.DMA,
            pltpu.SemaphoreType.DMA,
        ],
    )(_sc_interp)(idx_flat, w_flat, table)

    p1f = points1.reshape(P, D1)

    out = pl.pallas_call(
        _k3,
        grid=(3 * PB,),
        in_specs=[
            pl.BlockSpec((TP, D1), lambda t: (jnp.minimum(t, PB - 1), 0)),
            pl.BlockSpec((TP, D2), lambda t: (jnp.minimum(t, PB - 1), 0)),
            pl.BlockSpec((D1, M0), lambda t: (0, 0)),
            pl.BlockSpec((D2, M0), lambda t: (0, 0)),
            pl.BlockSpec((1, M0), lambda t: (0, 0)),
            pl.BlockSpec((1, M0), lambda t: (0, 0)),
            pl.BlockSpec((1, M0), lambda t: (0, 0)),
            pl.BlockSpec((M0, M1), lambda t: (0, 0)),
            pl.BlockSpec((1, M1), lambda t: (0, 0)),
            pl.BlockSpec((1, M1), lambda t: (0, 0)),
            pl.BlockSpec((1, M1), lambda t: (0, 0)),
        ],
        out_specs=pl.BlockSpec(
            (TP, M1), lambda t: (jnp.maximum(t - 2 * PB, 0), 0)),
        out_shape=jax.ShapeDtypeStruct((P, M1), jnp.float32),
        scratch_shapes=[
            pltpu.VMEM((P, M0), jnp.float32),
            pltpu.VMEM((1, M0), jnp.float32),
            pltpu.VMEM((1, M0), jnp.float32),
            pltpu.VMEM((1, M1), jnp.float32),
            pltpu.VMEM((1, M1), jnp.float32),
        ],
    )(p1f, interp, w1at, w1bt, row(b1), row(g1), row(be1),
      w2t, row(b2), row(g2), row(be2))

    return out.reshape(B, N, M1)

# --- scband reference (transcript-rebuilt; emitter-appended) ---
"""Pipeline reference for scband-point-net-feature-propagation-59717225284092 (READ-ONLY COPY).

The authoritative reference and input builder live on the scoring server;
editing this copy changes nothing except your own understanding.
"""

import jax, jax.numpy as jnp
import numpy as np

B, N, S = 8, 4096, 1024
D1, D2 = 64, 128
C_IN = D1 + D2
M0, M1 = 128, 128


def setup_inputs(seed: int = 0) -> dict:
    key = jax.random.key(seed)
    ks = jax.random.split(key, 10)
    xyz1 = jax.random.normal(ks[0], (B, N, 3), dtype=jnp.float32)
    xyz2 = jax.random.normal(ks[1], (B, S, 3), dtype=jnp.float32)
    points1 = jax.random.normal(ks[2], (B, N, D1), dtype=jnp.float32)
    points2 = jax.random.normal(ks[3], (B, S, D2), dtype=jnp.float32)
    W1 = jax.random.normal(ks[4], (M0, C_IN), dtype=jnp.float32) * (1.0 / np.sqrt(C_IN))
    b1 = jnp.zeros((M0,), dtype=jnp.float32)
    g1 = jnp.ones((M0,), dtype=jnp.float32)
    be1 = jnp.zeros((M0,), dtype=jnp.float32)
    W2 = jax.random.normal(ks[5], (M1, M0), dtype=jnp.float32) * (1.0 / np.sqrt(M0))
    b2 = jnp.zeros((M1,), dtype=jnp.float32)
    g2 = jnp.ones((M1,), dtype=jnp.float32)
    be2 = jnp.zeros((M1,), dtype=jnp.float32)
    return {"xyz1": xyz1, "xyz2": xyz2, "points1": points1, "points2": points2,
            "W1": W1, "b1": b1, "g1": g1, "be1": be1,
            "W2": W2, "b2": b2, "g2": g2, "be2": be2}


def _conv1x1(x, W, b):
    # x: [B, C, N], W: [O, C], b: [O]
    return jnp.einsum('oc,bcn->bon', W, x) + b[None, :, None]


def _bn_train(x, g, be, eps=1e-5):
    # training-mode BatchNorm1d over (batch, length) per channel, biased variance
    m = jnp.mean(x, axis=(0, 2), keepdims=True)
    v = jnp.mean((x - m) ** 2, axis=(0, 2), keepdims=True)
    return g[None, :, None] * (x - m) / jnp.sqrt(v + eps) + be[None, :, None]


def reference(xyz1, xyz2, points1, points2, W1, b1, g1, be1, W2, b2, g2, be2):
    # pairwise squared distances [B, N, S]
    diff = xyz1[:, :, None, :] - xyz2[:, None, :, :]
    dist = jnp.sum(diff ** 2, axis=-1)
    idx = jnp.argsort(dist, axis=-1)
    dist_sorted = jnp.take_along_axis(dist, idx, axis=-1)
    d3 = dist_sorted[:, :, :3]
    i3 = idx[:, :, :3]
    w = 1.0 / (d3 + 1e-8)
    w = w / jnp.sum(w, axis=-1, keepdims=True)
    b_idx = jnp.arange(points2.shape[0])[:, None, None]
    gathered = points2[b_idx, i3, :]  # [B, N, 3, D2]
    interp = jnp.sum(gathered * w[..., None], axis=2)  # [B, N, D2]
    new_points = jnp.concatenate([points1, interp], axis=-1)  # [B, N, C_IN]
    x = jnp.transpose(new_points, (0, 2, 1))  # [B, C_IN, N]
    x = jax.nn.relu(_bn_train(_conv1x1(x, W1, b1), g1, be1))
    x = jax.nn.relu(_bn_train(_conv1x1(x, W2, b2), g2, be2))
    return jnp.transpose(x, (0, 2, 1))  # [B, N, M1]

if __name__ == "__main__":
    import jax
    _d = setup_inputs()
    print(jax.jit(kernel)(*tuple(_d.values())))

</pallas_src>

<mosaic_0001>
#map = affine_map<(d0, d1) -> (0)>
#map1 = affine_map<(d0, d1) -> (0, 0)>
module attributes {stable_mosaic.version = 14 : i64} {
  func.func @_sc_interp(%arg0: i32, %arg1: i32, %arg2: memref<98304xi32, #tpu.memory_space<hbm>>, %arg3: memref<98304xf32, #tpu.memory_space<hbm>>, %arg4: memref<8192x128xf32, #tpu.memory_space<hbm>>, %arg5: memref<32768x128xf32, #tpu.memory_space<hbm>>, %arg6: memref<384xi32, #tpu.memory_space<vmem>>, %arg7: memref<384xi32, #tpu.memory_space<vmem>>, %arg8: memref<400xf32, #tpu.memory_space<vmem>>, %arg9: memref<400xf32, #tpu.memory_space<vmem>>, %arg10: memref<384x128xf32, #tpu.memory_space<vmem>>, %arg11: memref<384x128xf32, #tpu.memory_space<vmem>>, %arg12: memref<128x128xf32, #tpu.memory_space<vmem>>, %arg13: memref<!tpu.dma_semaphore, #tpu.memory_space<semaphore_mem>>, %arg14: memref<!tpu.dma_semaphore, #tpu.memory_space<semaphore_mem>>) attributes {dimension_semantics = [#tpu.dimension_semantics<core_parallel>, #tpu.dimension_semantics<subcore_parallel>], iteration_bounds = array<i64: 2, 16>, scalar_prefetch = 0 : i64, scratch_operands = 9 : i64, tpu.core_type = #tpu.core_type<sc_vector_subcore>, window_params = [{transform_indices = #map}, {transform_indices = #map}, {transform_indices = #map1}, {transform_indices = #map1}]} {
    %mul3A = arith.constant 2 : i32
    %mul3A_0 = arith.muli %arg1, %mul3A : i32
    %add3A = arith.addi %mul3A_0, %arg0 : i32
    %mul3A_1 = arith.constant 1024 : i32
    %mul3A_2 = arith.muli %add3A, %mul3A_1 : i32
    %add3A_3 = arith.constant 0 : i32
    %add3A_4 = arith.addi %mul3A_2, %add3A_3 : i32
    %mul3A_5 = arith.constant 3 : i32
    %mul3A_6 = arith.muli %add3A_4, %mul3A_5 : i32
    "tpu.region"() ({
      %run_scoped3A = tpu.sem_alloc : memref<!tpu.dma_semaphore, #tpu.memory_space<semaphore_mem>>
      %dma_start3A_15 = tpu.memref_slice %arg2[%mul3A_6] : memref<98304xi32, #tpu.memory_space<hbm>> -> memref<384xi32, #tpu.memory_space<hbm>>
      %dma_start3A_16 = tpu.memref_slice %arg2[%mul3A_6] : memref<98304xi32, #tpu.memory_space<hbm>> -> memref<384xi32, #tpu.memory_space<hbm>>
      tpu.enqueue_dma source(%dma_start3A_16 : memref<384xi32, #tpu.memory_space<hbm>>) target(%arg6 : memref<384xi32, #tpu.memory_space<vmem>>) target_semaphore(%run_scoped3A : memref<!tpu.dma_semaphore, #tpu.memory_space<semaphore_mem>>)
      %dma_wait3A_17 = tpu.memref_slice %arg2[%mul3A_6] : memref<98304xi32, #tpu.memory_space<hbm>> -> memref<384xi32, #tpu.memory_space<hbm>>
      %dma_wait3A_18 = tpu.memref_slice %arg2[%mul3A_6] : memref<98304xi32, #tpu.memory_space<hbm>> -> memref<384xi32, #tpu.memory_space<hbm>>
      tpu.wait_dma2 semaphore(%run_scoped3A : memref<!tpu.dma_semaphore, #tpu.memory_space<semaphore_mem>>) src(%dma_wait3A_18 : memref<384xi32, #tpu.memory_space<hbm>>) dst(%arg6 : memref<384xi32, #tpu.memory_space<vmem>>)
      tpu.yield
    }) : () -> ()
    "tpu.region"() ({
      %run_scoped3A = tpu.sem_alloc : memref<!tpu.dma_semaphore, #tpu.memory_space<semaphore_mem>>
      %dma_start3A_15 = arith.constant 0 : i32
      %dma_start3A_16 = tpu.memref_slice %arg8[%dma_start3A_15] : memref<400xf32, #tpu.memory_space<vmem>> -> memref<384xf32, #tpu.memory_space<vmem>>
      %dma_start3A_17 = tpu.memref_slice %arg3[%mul3A_6] : memref<98304xf32, #tpu.memory_space<hbm>> -> memref<384xf32, #tpu.memory_space<hbm>>
      %dma_start3A_18 = arith.constant 0 : i32
      %dma_start3A_19 = tpu.memref_slice %arg8[%dma_start3A_18] : memref<400xf32, #tpu.memory_space<vmem>> -> memref<384xf32, #tpu.memory_space<vmem>>
      %dma_start3A_20 = tpu.memref_slice %arg3[%mul3A_6] : memref<98304xf32, #tpu.memory_space<hbm>> -> memref<384xf32, #tpu.memory_space<hbm>>
      tpu.enqueue_dma source(%dma_start3A_20 : memref<384xf32, #tpu.memory_space<hbm>>) target(%dma_start3A_19 : memref<384xf32, #tpu.memory_space<vmem>>) target_semaphore(%run_scoped3A : memref<!tpu.dma_semaphore, #tpu.memory_space<semaphore_mem>>)
      %dma_wait3A_21 = arith.constant 0 : i32
      %dma_wait3A_22 = tpu.memref_slice %arg8[%dma_wait3A_21] : memref<400xf32, #tpu.memory_space<vmem>> -> memref<384xf32, #tpu.memory_space<vmem>>
      %dma_wait3A_23 = tpu.memref_slice %arg3[%mul3A_6] : memref<98304xf32, #tpu.memory_space<hbm>> -> memref<384xf32, #tpu.memory_space<hbm>>
      %dma_wait3A_24 = arith.constant 0 : i32
      %dma_wait3A_25 = tpu.memref_slice %arg8[%dma_wait3A_24] : memref<400xf32, #tpu.memory_space<vmem>> -> memref<384xf32, #tpu.memory_space<vmem>>
      %dma_wait3A_26 = tpu.memref_slice %arg3[%mul3A_6] : memref<98304xf32, #tpu.memory_space<hbm>> -> memref<384xf32, #tpu.memory_space<hbm>>
      tpu.wait_dma2 semaphore(%run_scoped3A : memref<!tpu.dma_semaphore, #tpu.memory_space<semaphore_mem>>) src(%dma_wait3A_26 : memref<384xf32, #tpu.memory_space<hbm>>) dst(%dma_wait3A_25 : memref<384xf32, #tpu.memory_space<vmem>>)
      tpu.yield
    }) : () -> ()
    %dma_start3A = arith.constant 0 : i32
    %dma_start3A_7 = arith.constant 0 : i32
    %dma_start3A_8 = tpu.memref_slice %arg4[%dma_start3A, %dma_start3A_7] : memref<8192x128xf32, #tpu.memory_space<hbm>> -> memref<8192x128xf32, #tpu.memory_space<hbm>>
    tpu.enqueue_indirect_dma source(%dma_start3A_8 : memref<8192x128xf32, #tpu.memory_space<hbm>>) target(%arg10 : memref<384x128xf32, #tpu.memory_space<vmem>>) offsets(%arg6 : memref<384xi32, #tpu.memory_space<vmem>>) semaphore(%arg13 : memref<!tpu.dma_semaphore, #tpu.memory_space<semaphore_mem>>)
    %scan3A = arith.constant 0 : i32
    %scan3A_9 = arith.constant 4 : i32
    %scan3A_10 = arith.addi %scan3A, %scan3A_9 : i32
    %scan3A_11 = arith.constant 1 : i32
    scf.for %scan3A_15 = %scan3A to %scan3A_10 step %scan3A_11  : i32 {
      %mul3A_16 = arith.constant 2 : i32
      %mul3A_17 = arith.muli %scan3A_15, %mul3A_16 : i32
      %add3A_18 = arith.constant 0 : i32
      %add3A_19 = arith.addi %add3A_18, %mul3A_17 : i32
      %add3A_20 = arith.constant 1 : i32
      %add3A_21 = arith.addi %add3A_19, %add3A_20 : i32
      %mul3A_22 = arith.constant 128 : i32
      %mul3A_23 = arith.muli %add3A_21, %mul3A_22 : i32
      %add3A_24 = arith.addi %mul3A_2, %mul3A_23 : i32
      %mul3A_25 = arith.constant 3 : i32
      %mul3A_26 = arith.muli %add3A_24, %mul3A_25 : i32
      "tpu.region"() ({
        %run_scoped3A = tpu.sem_alloc : memref<!tpu.dma_semaphore, #tpu.memory_space<semaphore_mem>>
        %dma_start3A_65 = tpu.memref_slice %arg2[%mul3A_26] : memref<98304xi32, #tpu.memory_space<hbm>> -> memref<384xi32, #tpu.memory_space<hbm>>
        %dma_start3A_66 = tpu.memref_slice %arg2[%mul3A_26] : memref<98304xi32, #tpu.memory_space<hbm>> -> memref<384xi32, #tpu.memory_space<hbm>>
        tpu.enqueue_dma source(%dma_start3A_66 : memref<384xi32, #tpu.memory_space<hbm>>) target(%arg7 : memref<384xi32, #tpu.memory_space<vmem>>) target_semaphore(%run_scoped3A : memref<!tpu.dma_semaphore, #tpu.memory_space<semaphore_mem>>)
        %dma_wait3A_67 = tpu.memref_slice %arg2[%mul3A_26] : memref<98304xi32, #tpu.memory_space<hbm>> -> memref<384xi32, #tpu.memory_space<hbm>>
        %dma_wait3A_68 = tpu.memref_slice %arg2[%mul3A_26] : memref<98304xi32, #tpu.memory_space<hbm>> -> memref<384xi32, #tpu.memory_space<hbm>>
        tpu.wait_dma2 semaphore(%run_scoped3A : memref<!tpu.dma_semaphore, #tpu.memory_space<semaphore_mem>>) src(%dma_wait3A_68 : memref<384xi32, #tpu.memory_space<hbm>>) dst(%arg7 : memref<384xi32, #tpu.memory_space<vmem>>)
        tpu.yield
      }) : () -> ()
      "tpu.region"() ({
        %run_scoped3A = tpu.sem_alloc : memref<!tpu.dma_semaphore, #tpu.memory_space<semaphore_mem>>
        %dma_start3A_65 = arith.constant 0 : i32
        %dma_start3A_66 = tpu.memref_slice %arg9[%dma_start3A_65] : memref<400xf32, #tpu.memory_space<vmem>> -> memref<384xf32, #tpu.memory_space<vmem>>
        %dma_start3A_67 = tpu.memref_slice %arg3[%mul3A_26] : memref<98304xf32, #tpu.memory_space<hbm>> -> memref<384xf32, #tpu.memory_space<hbm>>
        %dma_start3A_68 = arith.constant 0 : i32
        %dma_start3A_69 = tpu.memref_slice %arg9[%dma_start3A_68] : memref<400xf32, #tpu.memory_space<vmem>> -> memref<384xf32, #tpu.memory_space<vmem>>
        %dma_start3A_70 = tpu.memref_slice %arg3[%mul3A_26] : memref<98304xf32, #tpu.memory_space<hbm>> -> memref<384xf32, #tpu.memory_space<hbm>>
        tpu.enqueue_dma source(%dma_start3A_70 : memref<384xf32, #tpu.memory_space<hbm>>) target(%dma_start3A_69 : memref<384xf32, #tpu.memory_space<vmem>>) target_semaphore(%run_scoped3A : memref<!tpu.dma_semaphore, #tpu.memory_space<semaphore_mem>>)
        %dma_wait3A_71 = arith.constant 0 : i32
        %dma_wait3A_72 = tpu.memref_slice %arg9[%dma_wait3A_71] : memref<400xf32, #tpu.memory_space<vmem>> -> memref<384xf32, #tpu.memory_space<vmem>>
        %dma_wait3A_73 = tpu.memref_slice %arg3[%mul3A_26] : memref<98304xf32, #tpu.memory_space<hbm>> -> memref<384xf32, #tpu.memory_space<hbm>>
        %dma_wait3A_74 = arith.constant 0 : i32
        %dma_wait3A_75 = tpu.memref_slice %arg9[%dma_wait3A_74] : memref<400xf32, #tpu.memory_space<vmem>> -> memref<384xf32, #tpu.memory_space<vmem>>
        %dma_wait3A_76 = tpu.memref_slice %arg3[%mul3A_26] : memref<98304xf32, #tpu.memory_space<hbm>> -> memref<384xf32, #tpu.memory_space<hbm>>
        tpu.wait_dma2 semaphore(%run_scoped3A : memref<!tpu.dma_semaphore, #tpu.memory_space<semaphore_mem>>) src(%dma_wait3A_76 : memref<384xf32, #tpu.memory_space<hbm>>) dst(%dma_wait3A_75 : memref<384xf32, #tpu.memory_space<vmem>>)
        tpu.yield
      }) : () -> ()
      %dma_start3A_27 = arith.constant 0 : i32
      %dma_start3A_28 = arith.constant 0 : i32
      %dma_start3A_29 = tpu.memref_slice %arg4[%dma_start3A_27, %dma_start3A_28] : memref<8192x128xf32, #tpu.memory_space<hbm>> -> memref<8192x128xf32, #tpu.memory_space<hbm>>
      tpu.enqueue_indirect_dma source(%dma_start3A_29 : memref<8192x128xf32, #tpu.memory_space<hbm>>) target(%arg11 : memref<384x128xf32, #tpu.memory_space<vmem>>) offsets(%arg7 : memref<384xi32, #tpu.memory_space<vmem>>) semaphore(%arg14 : memref<!tpu.dma_semaphore, #tpu.memory_space<semaphore_mem>>)
      %dma_wait3A_30 = arith.constant 0 : i32
      %dma_wait3A_31 = arith.constant 0 : i32
      %dma_wait3A_32 = tpu.memref_slice %arg4[%dma_wait3A_30, %dma_wait3A_31] : memref<8192x128xf32, #tpu.memory_space<hbm>> -> memref<8192x128xf32, #tpu.memory_space<hbm>>
      tpu.wait_indirect_dma semaphore(%arg13 : memref<!tpu.dma_semaphore, #tpu.memory_space<semaphore_mem>>) src(%dma_wait3A_32 : memref<8192x128xf32, #tpu.memory_space<hbm>>) dst(%arg10 : memref<384x128xf32, #tpu.memory_space<vmem>>)
      %scan3A_33 = arith.constant 0 : i32
      %scan3A_34 = arith.constant 128 : i32
      %scan3A_35 = arith.addi %scan3A_33, %scan3A_34 : i32
      %scan3A_36 = arith.constant 1 : i32
      scf.for %scan3A_65 = %scan3A_33 to %scan3A_35 step %scan3A_36  : i32 {
        %mul3A_66 = arith.constant 1 : i32
        %mul3A_67 = arith.muli %scan3A_65, %mul3A_66 : i32
        %add3A_68 = arith.constant 0 : i32
        %add3A_69 = arith.addi %add3A_68, %mul3A_67 : i32
        %mul3A_70 = arith.constant 3 : i32
        %mul3A_71 = arith.muli %add3A_69, %mul3A_70 : i32
        %get3A = arith.index_cast %mul3A_71 : i32 to index
        %get3A_72 = tpu.vector_load %arg8[%get3A] {strides = array<i32>} : memref<400xf32, #tpu.memory_space<vmem>>, vector<16xf32>,
        %get3A_73 = vector.shape_cast %get3A_72 : vector<16xf32> to vector<16xf32>
        %get3A_74 = arith.index_cast %mul3A_71 : i32 to index
        %get3A_75 = arith.constant 0 : index
        %get3A_76 = tpu.vector_load %arg10[%get3A_74, %get3A_75] {strides = array<i32>} : memref<384x128xf32, #tpu.memory_space<vmem>>, vector<1x16xf32>,
        %get3A_77 = vector.shape_cast %get3A_76 : vector<1x16xf32> to vector<16xf32>
        %slice3A = vector.extract_strided_slice %get3A_73 {offsets = [0], sizes = [1], strides = [1]} : vector<16xf32> to vector<1xf32>
        %squeeze3A = vector.extract %slice3A[0] : f32 from vector<1xf32>
        %mul3A_78 = vector.broadcast %squeeze3A : f32 to vector<16xf32>
        %mul3A_79 = arith.mulf %get3A_77, %mul3A_78 : vector<16xf32>
        %add3A_80 = arith.constant 1 : i32
        %add3A_81 = arith.addi %mul3A_71, %add3A_80 : i32
        %get3A_82 = arith.index_cast %add3A_81 : i32 to index
        %get3A_83 = arith.constant 0 : index
        %get3A_84 = tpu.vector_load %arg10[%get3A_82, %get3A_83] {strides = array<i32>} : memref<384x128xf32, #tpu.memory_space<vmem>>, vector<1x16xf32>,
        %get3A_85 = vector.shape_cast %get3A_84 : vector<1x16xf32> to vector<16xf32>
        %slice3A_86 = vector.extract_strided_slice %get3A_73 {offsets = [1], sizes = [1], strides = [1]} : vector<16xf32> to vector<1xf32>
        %squeeze3A_87 = vector.extract %slice3A_86[0] : f32 from vector<1xf32>
        %mul3A_88 = vector.broadcast %squeeze3A_87 : f32 to vector<16xf32>
        %mul3A_89 = arith.mulf %get3A_85, %mul3A_88 : vector<16xf32>
        %add3A_90 = arith.addf %mul3A_79, %mul3A_89 : vector<16xf32>
        %add3A_91 = arith.constant 2 : i32
        %add3A_92 = arith.addi %mul3A_71, %add3A_91 : i32
        %get3A_93 = arith.index_cast %add3A_92 : i32 to index
        %get3A_94 = arith.constant 0 : index
        %get3A_95 = tpu.vector_load %arg10[%get3A_93, %get3A_94] {strides = array<i32>} : memref<384x128xf32, #tpu.memory_space<vmem>>, vector<1x16xf32>,
        %get3A_96 = vector.shape_cast %get3A_95 : vector<1x16xf32> to vector<16xf32>
        %slice3A_97 = vector.extract_strided_slice %get3A_73 {offsets = [2], sizes = [1], strides = [1]} : vector<16xf32> to vector<1xf32>
        %squeeze3A_98 = vector.extract %slice3A_97[0] : f32 from vector<1xf32>
        %mul3A_99 = vector.broadcast %squeeze3A_98 : f32 to vector<16xf32>
        %mul3A_100 = arith.mulf %get3A_96, %mul3A_99 : vector<16xf32>
        %add3A_101 = arith.addf %add3A_90, %mul3A_100 : vector<16xf32>
        %swap3A = arith.index_cast %add3A_69 : i32 to index
        %swap3A_102 = arith.constant 0 : index
        %swap3A_103 = tpu.vector_load %arg12[%swap3A, %swap3A_102] {strides = array<i32>} : memref<128x128xf32, #tpu.memory_space<vmem>>, vector<1x16xf32>,
        %swap3A_104 = vector.shape_cast %swap3A_103 : vector<1x16xf32> to vector<16xf32>
        %swap3A_105 = vector.shape_cast %add3A_101 : vector<16xf32> to vector<1x16xf32>
        tpu.vector_store %arg12[%swap3A, %swap3A_102], %swap3A_105 {strides = array<i32>} : memref<128x128xf32, #tpu.memory_space<vmem>>, vector<1x16xf32>,
        %get3A_106 = arith.index_cast %mul3A_71 : i32 to index
        %get3A_107 = arith.constant 16 : index
        %get3A_108 = tpu.vector_load %arg10[%get3A_106, %get3A_107] {strides = array<i32>} : memref<384x128xf32, #tpu.memory_space<vmem>>, vector<1x16xf32>,
        %get3A_109 = vector.shape_cast %get3A_108 : vector<1x16xf32> to vector<16xf32>
        %slice3A_110 = vector.extract_strided_slice %get3A_73 {offsets = [0], sizes = [1], strides = [1]} : vector<16xf32> to vector<1xf32>
        %squeeze3A_111 = vector.extract %slice3A_110[0] : f32 from vector<1xf32>
        %mul3A_112 = vector.broadcast %squeeze3A_111 : f32 to vector<16xf32>
        %mul3A_113 = arith.mulf %get3A_109, %mul3A_112 : vector<16xf32>
        %add3A_114 = arith.constant 1 : i32
        %add3A_115 = arith.addi %mul3A_71, %add3A_114 : i32
        %get3A_116 = arith.index_cast %add3A_115 : i32 to index
        %get3A_117 = arith.constant 16 : index
        %get3A_118 = tpu.vector_load %arg10[%get3A_116, %get3A_117] {strides = array<i32>} : memref<384x128xf32, #tpu.memory_space<vmem>>, vector<1x16xf32>,
        %get3A_119 = vector.shape_cast %get3A_118 : vector<1x16xf32> to vector<16xf32>
        %slice3A_120 = vector.extract_strided_slice %get3A_73 {offsets = [1], sizes = [1], strides = [1]} : vector<16xf32> to vector<1xf32>
        %squeeze3A_121 = vector.extract %slice3A_120[0] : f32 from vector<1xf32>
        %mul3A_122 = vector.broadcast %squeeze3A_121 : f32 to vector<16xf32>
        %mul3A_123 = arith.mulf %get3A_119, %mul3A_122 : vector<16xf32>
        %add3A_124 = arith.addf %mul3A_113, %mul3A_123 : vector<16xf32>
        %add3A_125 = arith.constant 2 : i32
        %add3A_126 = arith.addi %mul3A_71, %add3A_125 : i32
        %get3A_127 = arith.index_cast %add3A_126 : i32 to index
        %get3A_128 = arith.constant 16 : index
        %get3A_129 = tpu.vector_load %arg10[%get3A_127, %get3A_128] {strides = array<i32>} : memref<384x128xf32, #tpu.memory_space<vmem>>, vector<1x16xf32>,
        %get3A_130 = vector.shape_cast %get3A_129 : vector<1x16xf32> to vector<16xf32>
        %slice3A_131 = vector.extract_strided_slice %get3A_73 {offsets = [2], sizes = [1], strides = [1]} : vector<16xf32> to vector<1xf32>
        %squeeze3A_132 = vector.extract %slice3A_131[0] : f32 from vector<1xf32>
        %mul3A_133 = vector.broadcast %squeeze3A_132 : f32 to vector<16xf32>
        %mul3A_134 = arith.mulf %get3A_130, %mul3A_133 : vector<16xf32>
        %add3A_135 = arith.addf %add3A_124, %mul3A_134 : vector<16xf32>
        %swap3A_136 = arith.index_cast %add3A_69 : i32 to index
        %swap3A_137 = arith.constant 16 : index
        %swap3A_138 = tpu.vector_load %arg12[%swap3A_136, %swap3A_137] {strides = array<i32>} : memref<128x128xf32, #tpu.memory_space<vmem>>, vector<1x16xf32>,
        %swap3A_139 = vector.shape_cast %swap3A_138 : vector<1x16xf32> to vector<16xf32>
        %swap3A_140 = vector.shape_cast %add3A_135 : vector<16xf32> to vector<1x16xf32>
        tpu.vector_store %arg12[%swap3A_136, %swap3A_137], %swap3A_140 {strides = array<i32>} : memref<128x128xf32, #tpu.memory_space<vmem>>, vector<1x16xf32>,
        %get3A_141 = arith.index_cast %mul3A_71 : i32 to index
        %get3A_142 = arith.constant 32 : index
        %get3A_143 = tpu.vector_load %arg10[%get3A_141, %get3A_142] {strides = array<i32>} : memref<384x128xf32, #tpu.memory_space<vmem>>, vector<1x16xf32>,
        %get3A_144 = vector.shape_cast %get3A_143 : vector<1x16xf32> to vector<16xf32>
        %slice3A_145 = vector.extract_strided_slice %get3A_73 {offsets = [0], sizes = [1], strides = [1]} : vector<16xf32> to vector<1xf32>
        %squeeze3A_146 = vector.extract %slice3A_145[0] : f32 from vector<1xf32>
        %mul3A_147 = vector.broadcast %squeeze3A_146 : f32 to vector<16xf32>
        %mul3A_148 = arith.mulf %get3A_144, %mul3A_147 : vector<16xf32>
        %add3A_149 = arith.constant 1 : i32
        %add3A_150 = arith.addi %mul3A_71, %add3A_149 : i32
        %get3A_151 = arith.index_cast %add3A_150 : i32 to index
        %get3A_152 = arith.constant 32 : index
        %get3A_153 = tpu.vector_load %arg10[%get3A_151, %get3A_152] {strides = array<i32>} : memref<384x128xf32, #tpu.memory_space<vmem>>, vector<1x16xf32>,
        %get3A_154 = vector.shape_cast %get3A_153 : vector<1x16xf32> to vector<16xf32>
        %slice3A_155 = vector.extract_strided_slice %get3A_73 {offsets = [1], sizes = [1], strides = [1]} : vector<16xf32> to vector<1xf32>
        %squeeze3A_156 = vector.extract %slice3A_155[0] : f32 from vector<1xf32>
        %mul3A_157 = vector.broadcast %squeeze3A_156 : f32 to vector<16xf32>
        %mul3A_158 = arith.mulf %get3A_154, %mul3A_157 : vector<16xf32>
        %add3A_159 = arith.addf %mul3A_148, %mul3A_158 : vector<16xf32>
        %add3A_160 = arith.constant 2 : i32
        %add3A_161 = arith.addi %mul3A_71, %add3A_160 : i32
        %get3A_162 = arith.index_cast %add3A_161 : i32 to index
        %get3A_163 = arith.constant 32 : index
        %get3A_164 = tpu.vector_load %arg10[%get3A_162, %get3A_163] {strides = array<i32>} : memref<384x128xf32, #tpu.memory_space<vmem>>, vector<1x16xf32>,
        %get3A_165 = vector.shape_cast %get3A_164 : vector<1x16xf32> to vector<16xf32>
        %slice3A_166 = vector.extract_strided_slice %get3A_73 {offsets = [2], sizes = [1], strides = [1]} : vector<16xf32> to vector<1xf32>
        %squeeze3A_167 = vector.extract %slice3A_166[0] : f32 from vector<1xf32>
        %mul3A_168 = vector.broadcast %squeeze3A_167 : f32 to vector<16xf32>
        %mul3A_169 = arith.mulf %get3A_165, %mul3A_168 : vector<16xf32>
        %add3A_170 = arith.addf %add3A_159, %mul3A_169 : vector<16xf32>
        %swap3A_171 = arith.index_cast %add3A_69 : i32 to index
        %swap3A_172 = arith.constant 32 : index
        %swap3A_173 = tpu.vector_load %arg12[%swap3A_171, %swap3A_172] {strides = array<i32>} : memref<128x128xf32, #tpu.memory_space<vmem>>, vector<1x16xf32>,
        %swap3A_174 = vector.shape_cast %swap3A_173 : vector<1x16xf32> to vector<16xf32>
        %swap3A_175 = vector.shape_cast %add3A_170 : vector<16xf32> to vector<1x16xf32>
        tpu.vector_store %arg12[%swap3A_171, %swap3A_172], %swap3A_175 {strides = array<i32>} : memref<128x128xf32, #tpu.memory_space<vmem>>, vector<1x16xf32>,
        %get3A_176 = arith.index_cast %mul3A_71 : i32 to index
        %get3A_177 = arith.constant 48 : index
        %get3A_178 = tpu.vector_load %arg10[%get3A_176, %get3A_177] {strides = array<i32>} : memref<384x128xf32, #tpu.memory_space<vmem>>, vector<1x16xf32>,
        %get3A_179 = vector.shape_cast %get3A_178 : vector<1x16xf32> to vector<16xf32>
        %slice3A_180 = vector.extract_strided_slice %get3A_73 {offsets = [0], sizes = [1], strides = [1]} : vector<16xf32> to vector<1xf32>
        %squeeze3A_181 = vector.extract %slice3A_180[0] : f32 from vector<1xf32>
        %mul3A_182 = vector.broadcast %squeeze3A_181 : f32 to vector<16xf32>
        %mul3A_183 = arith.mulf %get3A_179, %mul3A_182 : vector<16xf32>
        %add3A_184 = arith.constant 1 : i32
        %add3A_185 = arith.addi %mul3A_71, %add3A_184 : i32
        %get3A_186 = arith.index_cast %add3A_185 : i32 to index
        %get3A_187 = arith.constant 48 : index
        %get3A_188 = tpu.vector_load %arg10[%get3A_186, %get3A_187] {strides = array<i32>} : memref<384x128xf32, #tpu.memory_space<vmem>>, vector<1x16xf32>,
        %get3A_189 = vector.shape_cast %get3A_188 : vector<1x16xf32> to vector<16xf32>
        %slice3A_190 = vector.extract_strided_slice %get3A_73 {offsets = [1], sizes = [1], strides = [1]} : vector<16xf32> to vector<1xf32>
        %squeeze3A_191 = vector.extract %slice3A_190[0] : f32 from vector<1xf32>
        %mul3A_192 = vector.broadcast %squeeze3A_191 : f32 to vector<16xf32>
        %mul3A_193 = arith.mulf %get3A_189, %mul3A_192 : vector<16xf32>
        %add3A_194 = arith.addf %mul3A_183, %mul3A_193 : vector<16xf32>
        %add3A_195 = arith.constant 2 : i32
        %add3A_196 = arith.addi %mul3A_71, %add3A_195 : i32
        %get3A_197 = arith.index_cast %add3A_196 : i32 to index
        %get3A_198 = arith.constant 48 : index
        %get3A_199 = tpu.vector_load %arg10[%get3A_197, %get3A_198] {strides = array<i32>} : memref<384x128xf32, #tpu.memory_space<vmem>>, vector<1x16xf32>,
        %get3A_200 = vector.shape_cast %get3A_199 : vector<1x16xf32> to vector<16xf32>
        %slice3A_201 = vector.extract_strided_slice %get3A_73 {offsets = [2], sizes = [1], strides = [1]} : vector<16xf32> to vector<1xf32>
        %squeeze3A_202 = vector.extract %slice3A_201[0] : f32 from vector<1xf32>
        %mul3A_203 = vector.broadcast %squeeze3A_202 : f32 to vector<16xf32>
        %mul3A_204 = arith.mulf %get3A_200, %mul3A_203 : vector<16xf32>
        %add3A_205 = arith.addf %add3A_194, %mul3A_204 : vector<16xf32>
        %swap3A_206 = arith.index_cast %add3A_69 : i32 to index
        %swap3A_207 = arith.constant 48 : index
        %swap3A_208 = tpu.vector_load %arg12[%swap3A_206, %swap3A_207] {strides = array<i32>} : memref<128x128xf32, #tpu.memory_space<vmem>>, vector<1x16xf32>,
        %swap3A_209 = vector.shape_cast %swap3A_208 : vector<1x16xf32> to vector<16xf32>
        %swap3A_210 = vector.shape_cast %add3A_205 : vector<16xf32> to vector<1x16xf32>
        tpu.vector_store %arg12[%swap3A_206, %swap3A_207], %swap3A_210 {strides = array<i32>} : memref<128x128xf32, #tpu.memory_space<vmem>>, vector<1x16xf32>,
        %get3A_211 = arith.index_cast %mul3A_71 : i32 to index
        %get3A_212 = arith.constant 64 : index
        %get3A_213 = tpu.vector_load %arg10[%get3A_211, %get3A_212] {strides = array<i32>} : memref<384x128xf32, #tpu.memory_space<vmem>>, vector<1x16xf32>,
        %get3A_214 = vector.shape_cast %get3A_213 : vector<1x16xf32> to vector<16xf32>
        %slice3A_215 = vector.extract_strided_slice %get3A_73 {offsets = [0], sizes = [1], strides = [1]} : vector<16xf32> to vector<1xf32>
        %squeeze3A_216 = vector.extract %slice3A_215[0] : f32 from vector<1xf32>
        %mul3A_217 = vector.broadcast %squeeze3A_216 : f32 to vector<16xf32>
        %mul3A_218 = arith.mulf %get3A_214, %mul3A_217 : vector<16xf32>
        %add3A_219 = arith.constant 1 : i32
        %add3A_220 = arith.addi %mul3A_71, %add3A_219 : i32
        %get3A_221 = arith.index_cast %add3A_220 : i32 to index
        %get3A_222 = arith.constant 64 : index
        %get3A_223 = tpu.vector_load %arg10[%get3A_221, %get3A_222] {strides = array<i32>} : memref<384x128xf32, #tpu.memory_space<vmem>>, vector<1x16xf32>,
        %get3A_224 = vector.shape_cast %get3A_223 : vector<1x16xf32> to vector<16xf32>
        %slice3A_225 = vector.extract_strided_slice %get3A_73 {offsets = [1], sizes = [1], strides = [1]} : vector<16xf32> to vector<1xf32>
        %squeeze3A_226 = vector.extract %slice3A_225[0] : f32 from vector<1xf32>
        %mul3A_227 = vector.broadcast %squeeze3A_226 : f32 to vector<16xf32>
        %mul3A_228 = arith.mulf %get3A_224, %mul3A_227 : vector<16xf32>
        %add3A_229 = arith.addf %mul3A_218, %mul3A_228 : vector<16xf32>
        %add3A_230 = arith.constant 2 : i32
        %add3A_231 = arith.addi %mul3A_71, %add3A_230 : i32
        %get3A_232 = arith.index_cast %add3A_231 : i32 to index
        %get3A_233 = arith.constant 64 : index
        %get3A_234 = tpu.vector_load %arg10[%get3A_232, %get3A_233] {strides = array<i32>} : memref<384x128xf32, #tpu.memory_space<vmem>>, vector<1x16xf32>,
        %get3A_235 = vector.shape_cast %get3A_234 : vector<1x16xf32> to vector<16xf32>
        %slice3A_236 = vector.extract_strided_slice %get3A_73 {offsets = [2], sizes = [1], strides = [1]} : vector<16xf32> to vector<1xf32>
        %squeeze3A_237 = vector.extract %slice3A_236[0] : f32 from vector<1xf32>
        %mul3A_238 = vector.broadcast %squeeze3A_237 : f32 to vector<16xf32>
        %mul3A_239 = arith.mulf %get3A_235, %mul3A_238 : vector<16xf32>
        %add3A_240 = arith.addf %add3A_229, %mul3A_239 : vector<16xf32>
        %swap3A_241 = arith.index_cast %add3A_69 : i32 to index
        %swap3A_242 = arith.constant 64 : index
        %swap3A_243 = tpu.vector_load %arg12[%swap3A_241, %swap3A_242] {strides = array<i32>} : memref<128x128xf32, #tpu.memory_space<vmem>>, vector<1x16xf32>,
        %swap3A_244 = vector.shape_cast %swap3A_243 : vector<1x16xf32> to vector<16xf32>
        %swap3A_245 = vector.shape_cast %add3A_240 : vector<16xf32> to vector<1x16xf32>
        tpu.vector_store %arg12[%swap3A_241, %swap3A_242], %swap3A_245 {strides = array<i32>} : memref<128x128xf32, #tpu.memory_space<vmem>>, vector<1x16xf32>,
        %get3A_246 = arith.index_cast %mul3A_71 : i32 to index
        %get3A_247 = arith.constant 80 : index
        %get3A_248 = tpu.vector_load %arg10[%get3A_246, %get3A_247] {strides = array<i32>} : memref<384x128xf32, #tpu.memory_space<vmem>>, vector<1x16xf32>,
        %get3A_249 = vector.shape_cast %get3A_248 : vector<1x16xf32> to vector<16xf32>
        %slice3A_250 = vector.extract_strided_slice %get3A_73 {offsets = [0], sizes = [1], strides = [1]} : vector<16xf32> to vector<1xf32>
        %squeeze3A_251 = vector.extract %slice3A_250[0] : f32 from vector<1xf32>
        %mul3A_252 = vector.broadcast %squeeze3A_251 : f32 to vector<16xf32>
        %mul3A_253 = arith.mulf %get3A_249, %mul3A_252 : vector<16xf32>
        %add3A_254 = arith.constant 1 : i32
        %add3A_255 = arith.addi %mul3A_71, %add3A_254 : i32
        %get3A_256 = arith.index_cast %add3A_255 : i32 to index
        %get3A_257 = arith.constant 80 : index
        %get3A_258 = tpu.vector_load %arg10[%get3A_256, %get3A_257] {strides = array<i32>} : memref<384x128xf32, #tpu.memory_space<vmem>>, vector<1x16xf32>,
        %get3A_259 = vector.shape_cast %get3A_258 : vector<1x16xf32> to vector<16xf32>
        %slice3A_260 = vector.extract_strided_slice %get3A_73 {offsets = [1], sizes = [1], strides = [1]} : vector<16xf32> to vector<1xf32>
        %squeeze3A_261 = vector.extract %slice3A_260[0] : f32 from vector<1xf32>
        %mul3A_262 = vector.broadcast %squeeze3A_261 : f32 to vector<16xf32>
        %mul3A_263 = arith.mulf %get3A_259, %mul3A_262 : vector<16xf32>
        %add3A_264 = arith.addf %mul3A_253, %mul3A_263 : vector<16xf32>
        %add3A_265 = arith.constant 2 : i32
        %add3A_266 = arith.addi %mul3A_71, %add3A_265 : i32
        %get3A_267 = arith.index_cast %add3A_266 : i32 to index
        %get3A_268 = arith.constant 80 : index
        %get3A_269 = tpu.vector_load %arg10[%get3A_267, %get3A_268] {strides = array<i32>} : memref<384x128xf32, #tpu.memory_space<vmem>>, vector<1x16xf32>,
        %get3A_270 = vector.shape_cast %get3A_269 : vector<1x16xf32> to vector<16xf32>
        %slice3A_271 = vector.extract_strided_slice %get3A_73 {offsets = [2], sizes = [1], strides = [1]} : vector<16xf32> to vector<1xf32>
        %squeeze3A_272 = vector.extract %slice3A_271[0] : f32 from vector<1xf32>
        %mul3A_273 = vector.broadcast %squeeze3A_272 : f32 to vector<16xf32>
        %mul3A_274 = arith.mulf %get3A_270, %mul3A_273 : vector<16xf32>
        %add3A_275 = arith.addf %add3A_264, %mul3A_274 : vector<16xf32>
        %swap3A_276 = arith.index_cast %add3A_69 : i32 to index
        %swap3A_277 = arith.constant 80 : index
        %swap3A_278 = tpu.vector_load %arg12[%swap3A_276, %swap3A_277] {strides = array<i32>} : memref<128x128xf32, #tpu.memory_space<vmem>>, vector<1x16xf32>,
        %swap3A_279 = vector.shape_cast %swap3A_278 : vector<1x16xf32> to vector<16xf32>
        %swap3A_280 = vector.shape_cast %add3A_275 : vector<16xf32> to vector<1x16xf32>
        tpu.vector_store %arg12[%swap3A_276, %swap3A_277], %swap3A_280 {strides = array<i32>} : memref<128x128xf32, #tpu.memory_space<vmem>>, vector<1x16xf32>,
        %get3A_281 = arith.index_cast %mul3A_71 : i32 to index
        %get3A_282 = arith.constant 96 : index
        %get3A_283 = tpu.vector_load %arg10[%get3A_281, %get3A_282] {strides = array<i32>} : memref<384x128xf32, #tpu.memory_space<vmem>>, vector<1x16xf32>,
        %get3A_284 = vector.shape_cast %get3A_283 : vector<1x16xf32> to vector<16xf32>
        %slice3A_285 = vector.extract_strided_slice %get3A_73 {offsets = [0], sizes = [1], strides = [1]} : vector<16xf32> to vector<1xf32>
        %squeeze3A_286 = vector.extract %slice3A_285[0] : f32 from vector<1xf32>
        %mul3A_287 = vector.broadcast %squeeze3A_286 : f32 to vector<16xf32>
        %mul3A_288 = arith.mulf %get3A_284, %mul3A_287 : vector<16xf32>
        %add3A_289 = arith.constant 1 : i32
        %add3A_290 = arith.addi %mul3A_71, %add3A_289 : i32
        %get3A_291 = arith.index_cast %add3A_290 : i32 to index
        %get3A_292 = arith.constant 96 : index
        %get3A_293 = tpu.vector_load %arg10[%get3A_291, %get3A_292] {strides = array<i32>} : memref<384x128xf32, #tpu.memory_space<vmem>>, vector<1x16xf32>,
        %get3A_294 = vector.shape_cast %get3A_293 : vector<1x16xf32> to vector<16xf32>
        %slice3A_295 = vector.extract_strided_slice %get3A_73 {offsets = [1], sizes = [1], strides = [1]} : vector<16xf32> to vector<1xf32>
        %squeeze3A_296 = vector.extract %slice3A_295[0] : f32 from vector<1xf32>
        %mul3A_297 = vector.broadcast %squeeze3A_296 : f32 to vector<16xf32>
        %mul3A_298 = arith.mulf %get3A_294, %mul3A_297 : vector<16xf32>
        %add3A_299 = arith.addf %mul3A_288, %mul3A_298 : vector<16xf32>
        %add3A_300 = arith.constant 2 : i32
        %add3A_301 = arith.addi %mul3A_71, %add3A_300 : i32
        %get3A_302 = arith.index_cast %add3A_301 : i32 to index
        %get3A_303 = arith.constant 96 : index
        %get3A_304 = tpu.vector_load %arg10[%get3A_302, %get3A_303] {strides = array<i32>} : memref<384x128xf32, #tpu.memory_space<vmem>>, vector<1x16xf32>,
        %get3A_305 = vector.shape_cast %get3A_304 : vector<1x16xf32> to vector<16xf32>
        %slice3A_306 = vector.extract_strided_slice %get3A_73 {offsets = [2], sizes = [1], strides = [1]} : vector<16xf32> to vector<1xf32>
        %squeeze3A_307 = vector.extract %slice3A_306[0] : f32 from vector<1xf32>
        %mul3A_308 = vector.broadcast %squeeze3A_307 : f32 to vector<16xf32>
        %mul3A_309 = arith.mulf %get3A_305, %mul3A_308 : vector<16xf32>
        %add3A_310 = arith.addf %add3A_299, %mul3A_309 : vector<16xf32>
        %swap3A_311 = arith.index_cast %add3A_69 : i32 to index
        %swap3A_312 = arith.constant 96 : index
        %swap3A_313 = tpu.vector_load %arg12[%swap3A_311, %swap3A_312] {strides = array<i32>} : memref<128x128xf32, #tpu.memory_space<vmem>>, vector<1x16xf32>,
        %swap3A_314 = vector.shape_cast %swap3A_313 : vector<1x16xf32> to vector<16xf32>
        %swap3A_315 = vector.shape_cast %add3A_310 : vector<16xf32> to vector<1x16xf32>
        tpu.vector_store %arg12[%swap3A_311, %swap3A_312], %swap3A_315 {strides = array<i32>} : memref<128x128xf32, #tpu.memory_space<vmem>>, vector<1x16xf32>,
        %get3A_316 = arith.index_cast %mul3A_71 : i32 to index
        %get3A_317 = arith.constant 112 : index
        %get3A_318 = tpu.vector_load %arg10[%get3A_316, %get3A_317] {strides = array<i32>} : memref<384x128xf32, #tpu.memory_space<vmem>>, vector<1x16xf32>,
        %get3A_319 = vector.shape_cast %get3A_318 : vector<1x16xf32> to vector<16xf32>
        %slice3A_320 = vector.extract_strided_slice %get3A_73 {offsets = [0], sizes = [1], strides = [1]} : vector<16xf32> to vector<1xf32>
        %squeeze3A_321 = vector.extract %slice3A_320[0] : f32 from vector<1xf32>
        %mul3A_322 = vector.broadcast %squeeze3A_321 : f32 to vector<16xf32>
        %mul3A_323 = arith.mulf %get3A_319, %mul3A_322 : vector<16xf32>
        %add3A_324 = arith.constant 1 : i32
        %add3A_325 = arith.addi %mul3A_71, %add3A_324 : i32
        %get3A_326 = arith.index_cast %add3A_325 : i32 to index
        %get3A_327 = arith.constant 112 : index
        %get3A_328 = tpu.vector_load %arg10[%get3A_326, %get3A_327] {strides = array<i32>} : memref<384x128xf32, #tpu.memory_space<vmem>>, vector<1x16xf32>,
        %get3A_329 = vector.shape_cast %get3A_328 : vector<1x16xf32> to vector<16xf32>
        %slice3A_330 = vector.extract_strided_slice %get3A_73 {offsets = [1], sizes = [1], strides = [1]} : vector<16xf32> to vector<1xf32>
        %squeeze3A_331 = vector.extract %slice3A_330[0] : f32 from vector<1xf32>
        %mul3A_332 = vector.broadcast %squeeze3A_331 : f32 to vector<16xf32>
        %mul3A_333 = arith.mulf %get3A_329, %mul3A_332 : vector<16xf32>
        %add3A_334 = arith.addf %mul3A_323, %mul3A_333 : vector<16xf32>
        %add3A_335 = arith.constant 2 : i32
        %add3A_336 = arith.addi %mul3A_71, %add3A_335 : i32
        %get3A_337 = arith.index_cast %add3A_336 : i32 to index
        %get3A_338 = arith.constant 112 : index
        %get3A_339 = tpu.vector_load %arg10[%get3A_337, %get3A_338] {strides = array<i32>} : memref<384x128xf32, #tpu.memory_space<vmem>>, vector<1x16xf32>,
        %get3A_340 = vector.shape_cast %get3A_339 : vector<1x16xf32> to vector<16xf32>
        %slice3A_341 = vector.extract_strided_slice %get3A_73 {offsets = [2], sizes = [1], strides = [1]} : vector<16xf32> to vector<1xf32>
        %squeeze3A_342 = vector.extract %slice3A_341[0] : f32 from vector<1xf32>
        %mul3A_343 = vector.broadcast %squeeze3A_342 : f32 to vector<16xf32>
        %mul3A_344 = arith.mulf %get3A_340, %mul3A_343 : vector<16xf32>
        %add3A_345 = arith.addf %add3A_334, %mul3A_344 : vector<16xf32>
        %swap3A_346 = arith.index_cast %add3A_69 : i32 to index
        %swap3A_347 = arith.constant 112 : index
        %swap3A_348 = tpu.vector_load %arg12[%swap3A_346, %swap3A_347] {strides = array<i32>} : memref<128x128xf32, #tpu.memory_space<vmem>>, vector<1x16xf32>,
        %swap3A_349 = vector.shape_cast %swap3A_348 : vector<1x16xf32> to vector<16xf32>
        %swap3A_350 = vector.shape_cast %add3A_345 : vector<16xf32> to vector<1x16xf32>
        tpu.vector_store %arg12[%swap3A_346, %swap3A_347], %swap3A_350 {strides = array<i32>} : memref<128x128xf32, #tpu.memory_space<vmem>>, vector<1x16xf32>,
      }
      %scan3A_37 = arith.constant 128 : i32
      %mul3A_38 = arith.constant 128 : i32
      %mul3A_39 = arith.muli %add3A_19, %mul3A_38 : i32
      %add3A_40 = arith.addi %mul3A_2, %mul3A_39 : i32
      "tpu.region"() ({
        %run_scoped3A = tpu.sem_alloc : memref<!tpu.dma_semaphore, #tpu.memory_space<semaphore_mem>>
        %dma_start3A_65 = arith.constant 0 : i32
        %dma_start3A_66 = tpu.memref_slice %arg5[%add3A_40, %dma_start3A_65] : memref<32768x128xf32, #tpu.memory_space<hbm>> -> memref<128x128xf32, #tpu.memory_space<hbm>>
        %dma_start3A_67 = arith.constant 0 : i32
        %dma_start3A_68 = tpu.memref_slice %arg5[%add3A_40, %dma_start3A_67] : memref<32768x128xf32, #tpu.memory_space<hbm>> -> memref<128x128xf32, #tpu.memory_space<hbm>>
        tpu.enqueue_dma source(%arg12 : memref<128x128xf32, #tpu.memory_space<vmem>>) target(%dma_start3A_68 : memref<128x128xf32, #tpu.memory_space<hbm>>) target_semaphore(%run_scoped3A : memref<!tpu.dma_semaphore, #tpu.memory_space<semaphore_mem>>)
        %dma_wait3A_69 = arith.constant 0 : i32
        %dma_wait3A_70 = tpu.memref_slice %arg5[%add3A_40, %dma_wait3A_69] : memref<32768x128xf32, #tpu.memory_space<hbm>> -> memref<128x128xf32, #tpu.memory_space<hbm>>
        %dma_wait3A_71 = arith.constant 0 : i32
        %dma_wait3A_72 = tpu.memref_slice %arg5[%add3A_40, %dma_wait3A_71] : memref<32768x128xf32, #tpu.memory_space<hbm>> -> memref<128x128xf32, #tpu.memory_space<hbm>>
        tpu.wait_dma2 semaphore(%run_scoped3A : memref<!tpu.dma_semaphore, #tpu.memory_space<semaphore_mem>>) src(%arg12 : memref<128x128xf32, #tpu.memory_space<vmem>>) dst(%dma_wait3A_72 : memref<128x128xf32, #tpu.memory_space<hbm>>)
        tpu.yield
      }) : () -> ()
      %add3A_41 = arith.constant 2 : i32
      %add3A_42 = arith.addi %add3A_19, %add3A_41 : i32
      %min3A = arith.constant 7 : i32
      %min3A_43 = arith.minsi %add3A_42, %min3A : i32
      %mul3A_44 = arith.constant 128 : i32
      %mul3A_45 = arith.muli %min3A_43, %mul3A_44 : i32
      %add3A_46 = arith.addi %mul3A_2, %mul3A_45 : i32
      %mul3A_47 = arith.constant 3 : i32
      %mul3A_48 = arith.muli %add3A_46, %mul3A_47 : i32
      "tpu.region"() ({
        %run_scoped3A = tpu.sem_alloc : memref<!tpu.dma_semaphore, #tpu.memory_space<semaphore_mem>>
        %dma_start3A_65 = tpu.memref_slice %arg2[%mul3A_48] : memref<98304xi32, #tpu.memory_space<hbm>> -> memref<384xi32, #tpu.memory_space<hbm>>
        %dma_start3A_66 = tpu.memref_slice %arg2[%mul3A_48] : memref<98304xi32, #tpu.memory_space<hbm>> -> memref<384xi32, #tpu.memory_space<hbm>>
        tpu.enqueue_dma source(%dma_start3A_66 : memref<384xi32, #tpu.memory_space<hbm>>) target(%arg6 : memref<384xi32, #tpu.memory_space<vmem>>) target_semaphore(%run_scoped3A : memref<!tpu.dma_semaphore, #tpu.memory_space<semaphore_mem>>)
        %dma_wait3A_67 = tpu.memref_slice %arg2[%mul3A_48] : memref<98304xi32, #tpu.memory_space<hbm>> -> memref<384xi32, #tpu.memory_space<hbm>>
        %dma_wait3A_68 = tpu.memref_slice %arg2[%mul3A_48] : memref<98304xi32, #tpu.memory_space<hbm>> -> memref<384xi32, #tpu.memory_space<hbm>>
        tpu.wait_dma2 semaphore(%run_scoped3A : memref<!tpu.dma_semaphore, #tpu.memory_space<semaphore_mem>>) src(%dma_wait3A_68 : memref<384xi32, #tpu.memory_space<hbm>>) dst(%arg6 : memref<384xi32, #tpu.memory_space<vmem>>)
        tpu.yield
      }) : () -> ()
      "tpu.region"() ({
        %run_scoped3A = tpu.sem_alloc : memref<!tpu.dma_semaphore, #tpu.memory_space<semaphore_mem>>
        %dma_start3A_65 = arith.constant 0 : i32
        %dma_start3A_66 = tpu.memref_slice %arg8[%dma_start3A_65] : memref<400xf32, #tpu.memory_space<vmem>> -> memref<384xf32, #tpu.memory_space<vmem>>
        %dma_start3A_67 = tpu.memref_slice %arg3[%mul3A_48] : memref<98304xf32, #tpu.memory_space<hbm>> -> memref<384xf32, #tpu.memory_space<hbm>>
        %dma_start3A_68 = arith.constant 0 : i32
        %dma_start3A_69 = tpu.memref_slice %arg8[%dma_start3A_68] : memref<400xf32, #tpu.memory_space<vmem>> -> memref<384xf32, #tpu.memory_space<vmem>>
        %dma_start3A_70 = tpu.memref_slice %arg3[%mul3A_48] : memref<98304xf32, #tpu.memory_space<hbm>> -> memref<384xf32, #tpu.memory_space<hbm>>
        tpu.enqueue_dma source(%dma_start3A_70 : memref<384xf32, #tpu.memory_space<hbm>>) target(%dma_start3A_69 : memref<384xf32, #tpu.memory_space<vmem>>) target_semaphore(%run_scoped3A : memref<!tpu.dma_semaphore, #tpu.memory_space<semaphore_mem>>)
        %dma_wait3A_71 = arith.constant 0 : i32
        %dma_wait3A_72 = tpu.memref_slice %arg8[%dma_wait3A_71] : memref<400xf32, #tpu.memory_space<vmem>> -> memref<384xf32, #tpu.memory_space<vmem>>
        %dma_wait3A_73 = tpu.memref_slice %arg3[%mul3A_48] : memref<98304xf32, #tpu.memory_space<hbm>> -> memref<384xf32, #tpu.memory_space<hbm>>
        %dma_wait3A_74 = arith.constant 0 : i32
        %dma_wait3A_75 = tpu.memref_slice %arg8[%dma_wait3A_74] : memref<400xf32, #tpu.memory_space<vmem>> -> memref<384xf32, #tpu.memory_space<vmem>>
        %dma_wait3A_76 = tpu.memref_slice %arg3[%mul3A_48] : memref<98304xf32, #tpu.memory_space<hbm>> -> memref<384xf32, #tpu.memory_space<hbm>>
        tpu.wait_dma2 semaphore(%run_scoped3A : memref<!tpu.dma_semaphore, #tpu.memory_space<semaphore_mem>>) src(%dma_wait3A_76 : memref<384xf32, #tpu.memory_space<hbm>>) dst(%dma_wait3A_75 : memref<384xf32, #tpu.memory_space<vmem>>)
        tpu.yield
      }) : () -> ()
      %dma_start3A_49 = arith.constant 0 : i32
      %dma_start3A_50 = arith.constant 0 : i32
      %dma_start3A_51 = tpu.memref_slice %arg4[%dma_start3A_49, %dma_start3A_50] : memref<8192x128xf32, #tpu.memory_space<hbm>> -> memref<8192x128xf32, #tpu.memory_space<hbm>>
      tpu.enqueue_indirect_dma source(%dma_start3A_51 : memref<8192x128xf32, #tpu.memory_space<hbm>>) target(%arg10 : memref<384x128xf32, #tpu.memory_space<vmem>>) offsets(%arg6 : memref<384xi32, #tpu.memory_space<vmem>>) semaphore(%arg13 : memref<!tpu.dma_semaphore, #tpu.memory_space<semaphore_mem>>)
      %add3A_52 = arith.constant 1 : i32
      %add3A_53 = arith.addi %add3A_19, %add3A_52 : i32
      %dma_wait3A_54 = arith.constant 0 : i32
      %dma_wait3A_55 = arith.constant 0 : i32
      %dma_wait3A_56 = tpu.memref_slice %arg4[%dma_wait3A_54, %dma_wait3A_55] : memref<8192x128xf32, #tpu.memory_space<hbm>> -> memref<8192x128xf32, #tpu.memory_space<hbm>>
      tpu.wait_indirect_dma semaphore(%arg14 : memref<!tpu.dma_semaphore, #tpu.memory_space<semaphore_mem>>) src(%dma_wait3A_56 : memref<8192x128xf32, #tpu.memory_space<hbm>>) dst(%arg11 : memref<384x128xf32, #tpu.memory_space<vmem>>)
      %scan3A_57 = arith.constant 0 : i32
      %scan3A_58 = arith.constant 128 : i32
      %scan3A_59 = arith.addi %scan3A_57, %scan3A_58 : i32
      %scan3A_60 = arith.constant 1 : i32
      scf.for %scan3A_65 = %scan3A_57 to %scan3A_59 step %scan3A_60  : i32 {
        %mul3A_66 = arith.constant 1 : i32
        %mul3A_67 = arith.muli %scan3A_65, %mul3A_66 : i32
        %add3A_68 = arith.constant 0 : i32
        %add3A_69 = arith.addi %add3A_68, %mul3A_67 : i32
        %mul3A_70 = arith.constant 3 : i32
        %mul3A_71 = arith.muli %add3A_69, %mul3A_70 : i32
        %get3A = arith.index_cast %mul3A_71 : i32 to index
        %get3A_72 = tpu.vector_load %arg9[%get3A] {strides = array<i32>} : memref<400xf32, #tpu.memory_space<vmem>>, vector<16xf32>,
        %get3A_73 = vector.shape_cast %get3A_72 : vector<16xf32> to vector<16xf32>
        %get3A_74 = arith.index_cast %mul3A_71 : i32 to index
        %get3A_75 = arith.constant 0 : index
        %get3A_76 = tpu.vector_load %arg11[%get3A_74, %get3A_75] {strides = array<i32>} : memref<384x128xf32, #tpu.memory_space<vmem>>, vector<1x16xf32>,
        %get3A_77 = vector.shape_cast %get3A_76 : vector<1x16xf32> to vector<16xf32>
        %slice3A = vector.extract_strided_slice %get3A_73 {offsets = [0], sizes = [1], strides = [1]} : vector<16xf32> to vector<1xf32>
        %squeeze3A = vector.extract %slice3A[0] : f32 from vector<1xf32>
        %mul3A_78 = vector.broadcast %squeeze3A : f32 to vector<16xf32>
        %mul3A_79 = arith.mulf %get3A_77, %mul3A_78 : vector<16xf32>
        %add3A_80 = arith.constant 1 : i32
        %add3A_81 = arith.addi %mul3A_71, %add3A_80 : i32
        %get3A_82 = arith.index_cast %add3A_81 : i32 to index
        %get3A_83 = arith.constant 0 : index
        %get3A_84 = tpu.vector_load %arg11[%get3A_82, %get3A_83] {strides = array<i32>} : memref<384x128xf32, #tpu.memory_space<vmem>>, vector<1x16xf32>,
        %get3A_85 = vector.shape_cast %get3A_84 : vector<1x16xf32> to vector<16xf32>
        %slice3A_86 = vector.extract_strided_slice %get3A_73 {offsets = [1], sizes = [1], strides = [1]} : vector<16xf32> to vector<1xf32>
        %squeeze3A_87 = vector.extract %slice3A_86[0] : f32 from vector<1xf32>
        %mul3A_88 = vector.broadcast %squeeze3A_87 : f32 to vector<16xf32>
        %mul3A_89 = arith.mulf %get3A_85, %mul3A_88 : vector<16xf32>
        %add3A_90 = arith.addf %mul3A_79, %mul3A_89 : vector<16xf32>
        %add3A_91 = arith.constant 2 : i32
        %add3A_92 = arith.addi %mul3A_71, %add3A_91 : i32
        %get3A_93 = arith.index_cast %add3A_92 : i32 to index
        %get3A_94 = arith.constant 0 : index
        %get3A_95 = tpu.vector_load %arg11[%get3A_93, %get3A_94] {strides = array<i32>} : memref<384x128xf32, #tpu.memory_space<vmem>>, vector<1x16xf32>,
        %get3A_96 = vector.shape_cast %get3A_95 : vector<1x16xf32> to vector<16xf32>
        %slice3A_97 = vector.extract_strided_slice %get3A_73 {offsets = [2], sizes = [1], strides = [1]} : vector<16xf32> to vector<1xf32>
        %squeeze3A_98 = vector.extract %slice3A_97[0] : f32 from vector<1xf32>
        %mul3A_99 = vector.broadcast %squeeze3A_98 : f32 to vector<16xf32>
        %mul3A_100 = arith.mulf %get3A_96, %mul3A_99 : vector<16xf32>
        %add3A_101 = arith.addf %add3A_90, %mul3A_100 : vector<16xf32>
        %swap3A = arith.index_cast %add3A_69 : i32 to index
        %swap3A_102 = arith.constant 0 : index
        %swap3A_103 = tpu.vector_load %arg12[%swap3A, %swap3A_102] {strides = array<i32>} : memref<128x128xf32, #tpu.memory_space<vmem>>, vector<1x16xf32>,
        %swap3A_104 = vector.shape_cast %swap3A_103 : vector<1x16xf32> to vector<16xf32>
        %swap3A_105 = vector.shape_cast %add3A_101 : vector<16xf32> to vector<1x16xf32>
        tpu.vector_store %arg12[%swap3A, %swap3A_102], %swap3A_105 {strides = array<i32>} : memref<128x128xf32, #tpu.memory_space<vmem>>, vector<1x16xf32>,
        %get3A_106 = arith.index_cast %mul3A_71 : i32 to index
        %get3A_107 = arith.constant 16 : index
        %get3A_108 = tpu.vector_load %arg11[%get3A_106, %get3A_107] {strides = array<i32>} : memref<384x128xf32, #tpu.memory_space<vmem>>, vector<1x16xf32>,
        %get3A_109 = vector.shape_cast %get3A_108 : vector<1x16xf32> to vector<16xf32>
        %slice3A_110 = vector.extract_strided_slice %get3A_73 {offsets = [0], sizes = [1], strides = [1]} : vector<16xf32> to vector<1xf32>
        %squeeze3A_111 = vector.extract %slice3A_110[0] : f32 from vector<1xf32>
        %mul3A_112 = vector.broadcast %squeeze3A_111 : f32 to vector<16xf32>
        %mul3A_113 = arith.mulf %get3A_109, %mul3A_112 : vector<16xf32>
        %add3A_114 = arith.constant 1 : i32
        %add3A_115 = arith.addi %mul3A_71, %add3A_114 : i32
        %get3A_116 = arith.index_cast %add3A_115 : i32 to index
        %get3A_117 = arith.constant 16 : index
        %get3A_118 = tpu.vector_load %arg11[%get3A_116, %get3A_117] {strides = array<i32>} : memref<384x128xf32, #tpu.memory_space<vmem>>, vector<1x16xf32>,
        %get3A_119 = vector.shape_cast %get3A_118 : vector<1x16xf32> to vector<16xf32>
        %slice3A_120 = vector.extract_strided_slice %get3A_73 {offsets = [1], sizes = [1], strides = [1]} : vector<16xf32> to vector<1xf32>
        %squeeze3A_121 = vector.extract %slice3A_120[0] : f32 from vector<1xf32>
        %mul3A_122 = vector.broadcast %squeeze3A_121 : f32 to vector<16xf32>
        %mul3A_123 = arith.mulf %get3A_119, %mul3A_122 : vector<16xf32>
        %add3A_124 = arith.addf %mul3A_113, %mul3A_123 : vector<16xf32>
        %add3A_125 = arith.constant 2 : i32
        %add3A_126 = arith.addi %mul3A_71, %add3A_125 : i32
        %get3A_127 = arith.index_cast %add3A_126 : i32 to index
        %get3A_128 = arith.constant 16 : index
        %get3A_129 = tpu.vector_load %arg11[%get3A_127, %get3A_128] {strides = array<i32>} : memref<384x128xf32, #tpu.memory_space<vmem>>, vector<1x16xf32>,
        %get3A_130 = vector.shape_cast %get3A_129 : vector<1x16xf32> to vector<16xf32>
        %slice3A_131 = vector.extract_strided_slice %get3A_73 {offsets = [2], sizes = [1], strides = [1]} : vector<16xf32> to vector<1xf32>
        %squeeze3A_132 = vector.extract %slice3A_131[0] : f32 from vector<1xf32>
        %mul3A_133 = vector.broadcast %squeeze3A_132 : f32 to vector<16xf32>
        %mul3A_134 = arith.mulf %get3A_130, %mul3A_133 : vector<16xf32>
        %add3A_135 = arith.addf %add3A_124, %mul3A_134 : vector<16xf32>
        %swap3A_136 = arith.index_cast %add3A_69 : i32 to index
        %swap3A_137 = arith.constant 16 : index
        %swap3A_138 = tpu.vector_load %arg12[%swap3A_136, %swap3A_137] {strides = array<i32>} : memref<128x128xf32, #tpu.memory_space<vmem>>, vector<1x16xf32>,
        %swap3A_139 = vector.shape_cast %swap3A_138 : vector<1x16xf32> to vector<16xf32>
        %swap3A_140 = vector.shape_cast %add3A_135 : vector<16xf32> to vector<1x16xf32>
        tpu.vector_store %arg12[%swap3A_136, %swap3A_137], %swap3A_140 {strides = array<i32>} : memref<128x128xf32, #tpu.memory_space<vmem>>, vector<1x16xf32>,
        %get3A_141 = arith.index_cast %mul3A_71 : i32 to index
        %get3A_142 = arith.constant 32 : index
        %get3A_143 = tpu.vector_load %arg11[%get3A_141, %get3A_142] {strides = array<i32>} : memref<384x128xf32, #tpu.memory_space<vmem>>, vector<1x16xf32>,
        %get3A_144 = vector.shape_cast %get3A_143 : vector<1x16xf32> to vector<16xf32>
        %slice3A_145 = vector.extract_strided_slice %get3A_73 {offsets = [0], sizes = [1], strides = [1]} : vector<16xf32> to vector<1xf32>
        %squeeze3A_146 = vector.extract %slice3A_145[0] : f32 from vector<1xf32>
        %mul3A_147 = vector.broadcast %squeeze3A_146 : f32 to vector<16xf32>
        %mul3A_148 = arith.mulf %get3A_144, %mul3A_147 : vector<16xf32>
        %add3A_149 = arith.constant 1 : i32
        %add3A_150 = arith.addi %mul3A_71, %add3A_149 : i32
        %get3A_151 = arith.index_cast %add3A_150 : i32 to index
        %get3A_152 = arith.constant 32 : index
        %get3A_153 = tpu.vector_load %arg11[%get3A_151, %get3A_152] {strides = array<i32>} : memref<384x128xf32, #tpu.memory_space<vmem>>, vector<1x16xf32>,
        %get3A_154 = vector.shape_cast %get3A_153 : vector<1x16xf32> to vector<16xf32>
        %slice3A_155 = vector.extract_strided_slice %get3A_73 {offsets = [1], sizes = [1], strides = [1]} : vector<16xf32> to vector<1xf32>
        %squeeze3A_156 = vector.extract %slice3A_155[0] : f32 from vector<1xf32>
        %mul3A_157 = vector.broadcast %squeeze3A_156 : f32 to vector<16xf32>
        %mul3A_158 = arith.mulf %get3A_154, %mul3A_157 : vector<16xf32>
        %add3A_159 = arith.addf %mul3A_148, %mul3A_158 : vector<16xf32>
        %add3A_160 = arith.constant 2 : i32
        %add3A_161 = arith.addi %mul3A_71, %add3A_160 : i32
        %get3A_162 = arith.index_cast %add3A_161 : i32 to index
        %get3A_163 = arith.constant 32 : index
        %get3A_164 = tpu.vector_load %arg11[%get3A_162, %get3A_163] {strides = array<i32>} : memref<384x128xf32, #tpu.memory_space<vmem>>, vector<1x16xf32>,
        %get3A_165 = vector.shape_cast %get3A_164 : vector<1x16xf32> to vector<16xf32>
        %slice3A_166 = vector.extract_strided_slice %get3A_73 {offsets = [2], sizes = [1], strides = [1]} : vector<16xf32> to vector<1xf32>
        %squeeze3A_167 = vector.extract %slice3A_166[0] : f32 from vector<1xf32>
        %mul3A_168 = vector.broadcast %squeeze3A_167 : f32 to vector<16xf32>
        %mul3A_169 = arith.mulf %get3A_165, %mul3A_168 : vector<16xf32>
        %add3A_170 = arith.addf %add3A_159, %mul3A_169 : vector<16xf32>
        %swap3A_171 = arith.index_cast %add3A_69 : i32 to index
        %swap3A_172 = arith.constant 32 : index
        %swap3A_173 = tpu.vector_load %arg12[%swap3A_171, %swap3A_172] {strides = array<i32>} : memref<128x128xf32, #tpu.memory_space<vmem>>, vector<1x16xf32>,
        %swap3A_174 = vector.shape_cast %swap3A_173 : vector<1x16xf32> to vector<16xf32>
        %swap3A_175 = vector.shape_cast %add3A_170 : vector<16xf32> to vector<1x16xf32>
        tpu.vector_store %arg12[%swap3A_171, %swap3A_172], %swap3A_175 {strides = array<i32>} : memref<128x128xf32, #tpu.memory_space<vmem>>, vector<1x16xf32>,
        %get3A_176 = arith.index_cast %mul3A_71 : i32 to index
        %get3A_177 = arith.constant 48 : index
        %get3A_178 = tpu.vector_load %arg11[%get3A_176, %get3A_177] {strides = array<i32>} : memref<384x128xf32, #tpu.memory_space<vmem>>, vector<1x16xf32>,
        %get3A_179 = vector.shape_cast %get3A_178 : vector<1x16xf32> to vector<16xf32>
        %slice3A_180 = vector.extract_strided_slice %get3A_73 {offsets = [0], sizes = [1], strides = [1]} : vector<16xf32> to vector<1xf32>
        %squeeze3A_181 = vector.extract %slice3A_180[0] : f32 from vector<1xf32>
        %mul3A_182 = vector.broadcast %squeeze3A_181 : f32 to vector<16xf32>
        %mul3A_183 = arith.mulf %get3A_179, %mul3A_182 : vector<16xf32>
        %add3A_184 = arith.constant 1 : i32
        %add3A_185 = arith.addi %mul3A_71, %add3A_184 : i32
        %get3A_186 = arith.index_cast %add3A_185 : i32 to index
        %get3A_187 = arith.constant 48 : index
        %get3A_188 = tpu.vector_load %arg11[%get3A_186, %get3A_187] {strides = array<i32>} : memref<384x128xf32, #tpu.memory_space<vmem>>, vector<1x16xf32>,
        %get3A_189 = vector.shape_cast %get3A_188 : vector<1x16xf32> to vector<16xf32>
        %slice3A_190 = vector.extract_strided_slice %get3A_73 {offsets = [1], sizes = [1], strides = [1]} : vector<16xf32> to vector<1xf32>
        %squeeze3A_191 = vector.extract %slice3A_190[0] : f32 from vector<1xf32>
        %mul3A_192 = vector.broadcast %squeeze3A_191 : f32 to vector<16xf32>
        %mul3A_193 = arith.mulf %get3A_189, %mul3A_192 : vector<16xf32>
        %add3A_194 = arith.addf %mul3A_183, %mul3A_193 : vector<16xf32>
        %add3A_195 = arith.constant 2 : i32
        %add3A_196 = arith.addi %mul3A_71, %add3A_195 : i32
        %get3A_197 = arith.index_cast %add3A_196 : i32 to index
        %get3A_198 = arith.constant 48 : index
        %get3A_199 = tpu.vector_load %arg11[%get3A_197, %get3A_198] {strides = array<i32>} : memref<384x128xf32, #tpu.memory_space<vmem>>, vector<1x16xf32>,
        %get3A_200 = vector.shape_cast %get3A_199 : vector<1x16xf32> to vector<16xf32>
        %slice3A_201 = vector.extract_strided_slice %get3A_73 {offsets = [2], sizes = [1], strides = [1]} : vector<16xf32> to vector<1xf32>
        %squeeze3A_202 = vector.extract %slice3A_201[0] : f32 from vector<1xf32>
        %mul3A_203 = vector.broadcast %squeeze3A_202 : f32 to vector<16xf32>
        %mul3A_204 = arith.mulf %get3A_200, %mul3A_203 : vector<16xf32>
        %add3A_205 = arith.addf %add3A_194, %mul3A_204 : vector<16xf32>
        %swap3A_206 = arith.index_cast %add3A_69 : i32 to index
        %swap3A_207 = arith.constant 48 : index
        %swap3A_208 = tpu.vector_load %arg12[%swap3A_206, %swap3A_207] {strides = array<i32>} : memref<128x128xf32, #tpu.memory_space<vmem>>, vector<1x16xf32>,
        %swap3A_209 = vector.shape_cast %swap3A_208 : vector<1x16xf32> to vector<16xf32>
        %swap3A_210 = vector.shape_cast %add3A_205 : vector<16xf32> to vector<1x16xf32>
        tpu.vector_store %arg12[%swap3A_206, %swap3A_207], %swap3A_210 {strides = array<i32>} : memref<128x128xf32, #tpu.memory_space<vmem>>, vector<1x16xf32>,
        %get3A_211 = arith.index_cast %mul3A_71 : i32 to index
        %get3A_212 = arith.constant 64 : index
        %get3A_213 = tpu.vector_load %arg11[%get3A_211, %get3A_212] {strides = array<i32>} : memref<384x128xf32, #tpu.memory_space<vmem>>, vector<1x16xf32>,
        %get3A_214 = vector.shape_cast %get3A_213 : vector<1x16xf32> to vector<16xf32>
        %slice3A_215 = vector.extract_strided_slice %get3A_73 {offsets = [0], sizes = [1], strides = [1]} : vector<16xf32> to vector<1xf32>
        %squeeze3A_216 = vector.extract %slice3A_215[0] : f32 from vector<1xf32>
        %mul3A_217 = vector.broadcast %squeeze3A_216 : f32 to vector<16xf32>
        %mul3A_218 = arith.mulf %get3A_214, %mul3A_217 : vector<16xf32>
        %add3A_219 = arith.constant 1 : i32
        %add3A_220 = arith.addi %mul3A_71, %add3A_219 : i32
        %get3A_221 = arith.index_cast %add3A_220 : i32 to index
        %get3A_222 = arith.constant 64 : index
        %get3A_223 = tpu.vector_load %arg11[%get3A_221, %get3A_222] {strides = array<i32>} : memref<384x128xf32, #tpu.memory_space<vmem>>, vector<1x16xf32>,
        %get3A_224 = vector.shape_cast %get3A_223 : vector<1x16xf32> to vector<16xf32>
        %slice3A_225 = vector.extract_strided_slice %get3A_73 {offsets = [1], sizes = [1], strides = [1]} : vector<16xf32> to vector<1xf32>
        %squeeze3A_226 = vector.extract %slice3A_225[0] : f32 from vector<1xf32>
        %mul3A_227 = vector.broadcast %squeeze3A_226 : f32 to vector<16xf32>
        %mul3A_228 = arith.mulf %get3A_224, %mul3A_227 : vector<16xf32>
        %add3A_229 = arith.addf %mul3A_218, %mul3A_228 : vector<16xf32>
        %add3A_230 = arith.constant 2 : i32
        %add3A_231 = arith.addi %mul3A_71, %add3A_230 : i32
        %get3A_232 = arith.index_cast %add3A_231 : i32 to index
        %get3A_233 = arith.constant 64 : index
        %get3A_234 = tpu.vector_load %arg11[%get3A_232, %get3A_233] {strides = array<i32>} : memref<384x128xf32, #tpu.memory_space<vmem>>, vector<1x16xf32>,
        %get3A_235 = vector.shape_cast %get3A_234 : vector<1x16xf32> to vector<16xf32>
        %slice3A_236 = vector.extract_strided_slice %get3A_73 {offsets = [2], sizes = [1], strides = [1]} : vector<16xf32> to vector<1xf32>
        %squeeze3A_237 = vector.extract %slice3A_236[0] : f32 from vector<1xf32>
        %mul3A_238 = vector.broadcast %squeeze3A_237 : f32 to vector<16xf32>
        %mul3A_239 = arith.mulf %get3A_235, %mul3A_238 : vector<16xf32>
        %add3A_240 = arith.addf %add3A_229, %mul3A_239 : vector<16xf32>
        %swap3A_241 = arith.index_cast %add3A_69 : i32 to index
        %swap3A_242 = arith.constant 64 : index
        %swap3A_243 = tpu.vector_load %arg12[%swap3A_241, %swap3A_242] {strides = array<i32>} : memref<128x128xf32, #tpu.memory_space<vmem>>, vector<1x16xf32>,
        %swap3A_244 = vector.shape_cast %swap3A_243 : vector<1x16xf32> to vector<16xf32>
        %swap3A_245 = vector.shape_cast %add3A_240 : vector<16xf32> to vector<1x16xf32>
        tpu.vector_store %arg12[%swap3A_241, %swap3A_242], %swap3A_245 {strides = array<i32>} : memref<128x128xf32, #tpu.memory_space<vmem>>, vector<1x16xf32>,
        %get3A_246 = arith.index_cast %mul3A_71 : i32 to index
        %get3A_247 = arith.constant 80 : index
        %get3A_248 = tpu.vector_load %arg11[%get3A_246, %get3A_247] {strides = array<i32>} : memref<384x128xf32, #tpu.memory_space<vmem>>, vector<1x16xf32>,
        %get3A_249 = vector.shape_cast %get3A_248 : vector<1x16xf32> to vector<16xf32>
        %slice3A_250 = vector.extract_strided_slice %get3A_73 {offsets = [0], sizes = [1], strides = [1]} : vector<16xf32> to vector<1xf32>
        %squeeze3A_251 = vector.extract %slice3A_250[0] : f32 from vector<1xf32>
        %mul3A_252 = vector.broadcast %squeeze3A_251 : f32 to vector<16xf32>
        %mul3A_253 = arith.mulf %get3A_249, %mul3A_252 : vector<16xf32>
        %add3A_254 = arith.constant 1 : i32
        %add3A_255 = arith.addi %mul3A_71, %add3A_254 : i32
        %get3A_256 = arith.index_cast %add3A_255 : i32 to index
        %get3A_257 = arith.constant 80 : index
        %get3A_258 = tpu.vector_load %arg11[%get3A_256, %get3A_257] {strides = array<i32>} : memref<384x128xf32, #tpu.memory_space<vmem>>, vector<1x16xf32>,
        %get3A_259 = vector.shape_cast %get3A_258 : vector<1x16xf32> to vector<16xf32>
        %slice3A_260 = vector.extract_strided_slice %get3A_73 {offsets = [1], sizes = [1], strides = [1]} : vector<16xf32> to vector<1xf32>
        %squeeze3A_261 = vector.extract %slice3A_260[0] : f32 from vector<1xf32>
        %mul3A_262 = vector.broadcast %squeeze3A_261 : f32 to vector<16xf32>
        %mul3A_263 = arith.mulf %get3A_259, %mul3A_262 : vector<16xf32>
        %add3A_264 = arith.addf %mul3A_253, %mul3A_263 : vector<16xf32>
        %add3A_265 = arith.constant 2 : i32
        %add3A_266 = arith.addi %mul3A_71, %add3A_265 : i32
        %get3A_267 = arith.index_cast %add3A_266 : i32 to index
        %get3A_268 = arith.constant 80 : index
        %get3A_269 = tpu.vector_load %arg11[%get3A_267, %get3A_268] {strides = array<i32>} : memref<384x128xf32, #tpu.memory_space<vmem>>, vector<1x16xf32>,
        %get3A_270 = vector.shape_cast %get3A_269 : vector<1x16xf32> to vector<16xf32>
        %slice3A_271 = vector.extract_strided_slice %get3A_73 {offsets = [2], sizes = [1], strides = [1]} : vector<16xf32> to vector<1xf32>
        %squeeze3A_272 = vector.extract %slice3A_271[0] : f32 from vector<1xf32>
        %mul3A_273 = vector.broadcast %squeeze3A_272 : f32 to vector<16xf32>
        %mul3A_274 = arith.mulf %get3A_270, %mul3A_273 : vector<16xf32>
        %add3A_275 = arith.addf %add3A_264, %mul3A_274 : vector<16xf32>
        %swap3A_276 = arith.index_cast %add3A_69 : i32 to index
        %swap3A_277 = arith.constant 80 : index
        %swap3A_278 = tpu.vector_load %arg12[%swap3A_276, %swap3A_277] {strides = array<i32>} : memref<128x128xf32, #tpu.memory_space<vmem>>, vector<1x16xf32>,
        %swap3A_279 = vector.shape_cast %swap3A_278 : vector<1x16xf32> to vector<16xf32>
        %swap3A_280 = vector.shape_cast %add3A_275 : vector<16xf32> to vector<1x16xf32>
        tpu.vector_store %arg12[%swap3A_276, %swap3A_277], %swap3A_280 {strides = array<i32>} : memref<128x128xf32, #tpu.memory_space<vmem>>, vector<1x16xf32>,
        %get3A_281 = arith.index_cast %mul3A_71 : i32 to index
        %get3A_282 = arith.constant 96 : index
        %get3A_283 = tpu.vector_load %arg11[%get3A_281, %get3A_282] {strides = array<i32>} : memref<384x128xf32, #tpu.memory_space<vmem>>, vector<1x16xf32>,
        %get3A_284 = vector.shape_cast %get3A_283 : vector<1x16xf32> to vector<16xf32>
        %slice3A_285 = vector.extract_strided_slice %get3A_73 {offsets = [0], sizes = [1], strides = [1]} : vector<16xf32> to vector<1xf32>
        %squeeze3A_286 = vector.extract %slice3A_285[0] : f32 from vector<1xf32>
        %mul3A_287 = vector.broadcast %squeeze3A_286 : f32 to vector<16xf32>
        %mul3A_288 = arith.mulf %get3A_284, %mul3A_287 : vector<16xf32>
        %add3A_289 = arith.constant 1 : i32
        %add3A_290 = arith.addi %mul3A_71, %add3A_289 : i32
        %get3A_291 = arith.index_cast %add3A_290 : i32 to index
        %get3A_292 = arith.constant 96 : index
        %get3A_293 = tpu.vector_load %arg11[%get3A_291, %get3A_292] {strides = array<i32>} : memref<384x128xf32, #tpu.memory_space<vmem>>, vector<1x16xf32>,
        %get3A_294 = vector.shape_cast %get3A_293 : vector<1x16xf32> to vector<16xf32>
        %slice3A_295 = vector.extract_strided_slice %get3A_73 {offsets = [1], sizes = [1], strides = [1]} : vector<16xf32> to vector<1xf32>
        %squeeze3A_296 = vector.extract %slice3A_295[0] : f32 from vector<1xf32>
        %mul3A_297 = vector.broadcast %squeeze3A_296 : f32 to vector<16xf32>
        %mul3A_298 = arith.mulf %get3A_294, %mul3A_297 : vector<16xf32>
        %add3A_299 = arith.addf %mul3A_288, %mul3A_298 : vector<16xf32>
        %add3A_300 = arith.constant 2 : i32
        %add3A_301 = arith.addi %mul3A_71, %add3A_300 : i32
        %get3A_302 = arith.index_cast %add3A_301 : i32 to index
        %get3A_303 = arith.constant 96 : index
        %get3A_304 = tpu.vector_load %arg11[%get3A_302, %get3A_303] {strides = array<i32>} : memref<384x128xf32, #tpu.memory_space<vmem>>, vector<1x16xf32>,
        %get3A_305 = vector.shape_cast %get3A_304 : vector<1x16xf32> to vector<16xf32>
        %slice3A_306 = vector.extract_strided_slice %get3A_73 {offsets = [2], sizes = [1], strides = [1]} : vector<16xf32> to vector<1xf32>
        %squeeze3A_307 = vector.extract %slice3A_306[0] : f32 from vector<1xf32>
        %mul3A_308 = vector.broadcast %squeeze3A_307 : f32 to vector<16xf32>
        %mul3A_309 = arith.mulf %get3A_305, %mul3A_308 : vector<16xf32>
        %add3A_310 = arith.addf %add3A_299, %mul3A_309 : vector<16xf32>
        %swap3A_311 = arith.index_cast %add3A_69 : i32 to index
        %swap3A_312 = arith.constant 96 : index
        %swap3A_313 = tpu.vector_load %arg12[%swap3A_311, %swap3A_312] {strides = array<i32>} : memref<128x128xf32, #tpu.memory_space<vmem>>, vector<1x16xf32>,
        %swap3A_314 = vector.shape_cast %swap3A_313 : vector<1x16xf32> to vector<16xf32>
        %swap3A_315 = vector.shape_cast %add3A_310 : vector<16xf32> to vector<1x16xf32>
        tpu.vector_store %arg12[%swap3A_311, %swap3A_312], %swap3A_315 {strides = array<i32>} : memref<128x128xf32, #tpu.memory_space<vmem>>, vector<1x16xf32>,
        %get3A_316 = arith.index_cast %mul3A_71 : i32 to index
        %get3A_317 = arith.constant 112 : index
        %get3A_318 = tpu.vector_load %arg11[%get3A_316, %get3A_317] {strides = array<i32>} : memref<384x128xf32, #tpu.memory_space<vmem>>, vector<1x16xf32>,
        %get3A_319 = vector.shape_cast %get3A_318 : vector<1x16xf32> to vector<16xf32>
        %slice3A_320 = vector.extract_strided_slice %get3A_73 {offsets = [0], sizes = [1], strides = [1]} : vector<16xf32> to vector<1xf32>
        %squeeze3A_321 = vector.extract %slice3A_320[0] : f32 from vector<1xf32>
        %mul3A_322 = vector.broadcast %squeeze3A_321 : f32 to vector<16xf32>
        %mul3A_323 = arith.mulf %get3A_319, %mul3A_322 : vector<16xf32>
        %add3A_324 = arith.constant 1 : i32
        %add3A_325 = arith.addi %mul3A_71, %add3A_324 : i32
        %get3A_326 = arith.index_cast %add3A_325 : i32 to index
        %get3A_327 = arith.constant 112 : index
        %get3A_328 = tpu.vector_load %arg11[%get3A_326, %get3A_327] {strides = array<i32>} : memref<384x128xf32, #tpu.memory_space<vmem>>, vector<1x16xf32>,
        %get3A_329 = vector.shape_cast %get3A_328 : vector<1x16xf32> to vector<16xf32>
        %slice3A_330 = vector.extract_strided_slice %get3A_73 {offsets = [1], sizes = [1], strides = [1]} : vector<16xf32> to vector<1xf32>
        %squeeze3A_331 = vector.extract %slice3A_330[0] : f32 from vector<1xf32>
        %mul3A_332 = vector.broadcast %squeeze3A_331 : f32 to vector<16xf32>
        %mul3A_333 = arith.mulf %get3A_329, %mul3A_332 : vector<16xf32>
        %add3A_334 = arith.addf %mul3A_323, %mul3A_333 : vector<16xf32>
        %add3A_335 = arith.constant 2 : i32
        %add3A_336 = arith.addi %mul3A_71, %add3A_335 : i32
        %get3A_337 = arith.index_cast %add3A_336 : i32 to index
        %get3A_338 = arith.constant 112 : index
        %get3A_339 = tpu.vector_load %arg11[%get3A_337, %get3A_338] {strides = array<i32>} : memref<384x128xf32, #tpu.memory_space<vmem>>, vector<1x16xf32>,
        %get3A_340 = vector.shape_cast %get3A_339 : vector<1x16xf32> to vector<16xf32>
        %slice3A_341 = vector.extract_strided_slice %get3A_73 {offsets = [2], sizes = [1], strides = [1]} : vector<16xf32> to vector<1xf32>
        %squeeze3A_342 = vector.extract %slice3A_341[0] : f32 from vector<1xf32>
        %mul3A_343 = vector.broadcast %squeeze3A_342 : f32 to vector<16xf32>
        %mul3A_344 = arith.mulf %get3A_340, %mul3A_343 : vector<16xf32>
        %add3A_345 = arith.addf %add3A_334, %mul3A_344 : vector<16xf32>
        %swap3A_346 = arith.index_cast %add3A_69 : i32 to index
        %swap3A_347 = arith.constant 112 : index
        %swap3A_348 = tpu.vector_load %arg12[%swap3A_346, %swap3A_347] {strides = array<i32>} : memref<128x128xf32, #tpu.memory_space<vmem>>, vector<1x16xf32>,
        %swap3A_349 = vector.shape_cast %swap3A_348 : vector<1x16xf32> to vector<16xf32>
        %swap3A_350 = vector.shape_cast %add3A_345 : vector<16xf32> to vector<1x16xf32>
        tpu.vector_store %arg12[%swap3A_346, %swap3A_347], %swap3A_350 {strides = array<i32>} : memref<128x128xf32, #tpu.memory_space<vmem>>, vector<1x16xf32>,
      }
      %scan3A_61 = arith.constant 128 : i32
      %mul3A_62 = arith.constant 128 : i32
      %mul3A_63 = arith.muli %add3A_53, %mul3A_62 : i32
      %add3A_64 = arith.addi %mul3A_2, %mul3A_63 : i32
      "tpu.region"() ({
        %run_scoped3A = tpu.sem_alloc : memref<!tpu.dma_semaphore, #tpu.memory_space<semaphore_mem>>
        %dma_start3A_65 = arith.constant 0 : i32
        %dma_start3A_66 = tpu.memref_slice %arg5[%add3A_64, %dma_start3A_65] : memref<32768x128xf32, #tpu.memory_space<hbm>> -> memref<128x128xf32, #tpu.memory_space<hbm>>
        %dma_start3A_67 = arith.constant 0 : i32
        %dma_start3A_68 = tpu.memref_slice %arg5[%add3A_64, %dma_start3A_67] : memref<32768x128xf32, #tpu.memory_space<hbm>> -> memref<128x128xf32, #tpu.memory_space<hbm>>
        tpu.enqueue_dma source(%arg12 : memref<128x128xf32, #tpu.memory_space<vmem>>) target(%dma_start3A_68 : memref<128x128xf32, #tpu.memory_space<hbm>>) target_semaphore(%run_scoped3A : memref<!tpu.dma_semaphore, #tpu.memory_space<semaphore_mem>>)
        %dma_wait3A_69 = arith.constant 0 : i32
        %dma_wait3A_70 = tpu.memref_slice %arg5[%add3A_64, %dma_wait3A_69] : memref<32768x128xf32, #tpu.memory_space<hbm>> -> memref<128x128xf32, #tpu.memory_space<hbm>>
        %dma_wait3A_71 = arith.constant 0 : i32
        %dma_wait3A_72 = tpu.memref_slice %arg5[%add3A_64, %dma_wait3A_71] : memref<32768x128xf32, #tpu.memory_space<hbm>> -> memref<128x128xf32, #tpu.memory_space<hbm>>
        tpu.wait_dma2 semaphore(%run_scoped3A : memref<!tpu.dma_semaphore, #tpu.memory_space<semaphore_mem>>) src(%arg12 : memref<128x128xf32, #tpu.memory_space<vmem>>) dst(%dma_wait3A_72 : memref<128x128xf32, #tpu.memory_space<hbm>>)
        tpu.yield
      }) : () -> ()
    }
    %scan3A_12 = arith.constant 4 : i32
    %dma_wait3A = arith.constant 0 : i32
    %dma_wait3A_13 = arith.constant 0 : i32
    %dma_wait3A_14 = tpu.memref_slice %arg4[%dma_wait3A, %dma_wait3A_13] : memref<8192x128xf32, #tpu.memory_space<hbm>> -> memref<8192x128xf32, #tpu.memory_space<hbm>>
    tpu.wait_indirect_dma semaphore(%arg13 : memref<!tpu.dma_semaphore, #tpu.memory_space<semaphore_mem>>) src(%dma_wait3A_14 : memref<8192x128xf32, #tpu.memory_space<hbm>>) dst(%arg10 : memref<384x128xf32, #tpu.memory_space<vmem>>)
    return
  }
}

module attributes {stable_mosaic.version = 14 : i64} {
  func.func @_k3(%arg0: i32, %arg1: memref<4096x64xf32, #tpu.memory_space<vmem>>, %arg2: memref<4096x128xf32, #tpu.memory_space<vmem>>, %arg3: memref<64x128xf32, #tpu.memory_space<vmem>>, %arg4: memref<128x128xf32, #tpu.memory_space<vmem>>, %arg5: memref<1x128xf32, #tpu.memory_space<vmem>>, %arg6: memref<1x128xf32, #tpu.memory_space<vmem>>, %arg7: memref<1x128xf32, #tpu.memory_space<vmem>>, %arg8: memref<128x128xf32, #tpu.memory_space<vmem>>, %arg9: memref<1x128xf32, #tpu.memory_space<vmem>>, %arg10: memref<1x128xf32, #tpu.memory_space<vmem>>, %arg11: memref<1x128xf32, #tpu.memory_space<vmem>>, %arg12: memref<4096x128xf32, #tpu.memory_space<vmem>>, %arg13: memref<32768x128xf32, #tpu.memory_space<vmem>>, %arg14: memref<1x128xf32, #tpu.memory_space<vmem>>, %arg15: memref<1x128xf32, #tpu.memory_space<vmem>>, %arg16: memref<1x128xf32, #tpu.memory_space<vmem>>, %arg17: memref<1x128xf32, #tpu.memory_space<vmem>>) attributes {dimension_semantics = [#tpu.dimension_semantics<arbitrary>], iteration_bounds = array<i64: 24>, scalar_prefetch = 0 : i64, scratch_operands = 5 : i64, tpu.core_type = #tpu.core_type<tc>, window_params = [{transform_indices = @transform_0, window_bounds = array<i64: 4096, 64>}, {transform_indices = @transform_1, window_bounds = array<i64: 4096, 128>}, {pipeline_mode = #tpu.pipeline_mode<synchronous>, transform_indices = @transform_2, window_bounds = array<i64: 64, 128>}, {pipeline_mode = #tpu.pipeline_mode<synchronous>, transform_indices = @transform_3, window_bounds = array<i64: 128, 128>}, {pipeline_mode = #tpu.pipeline_mode<synchronous>, transform_indices = @transform_4, window_bounds = array<i64: 1, 128>}, {pipeline_mode = #tpu.pipeline_mode<synchronous>, transform_indices = @transform_5, window_bounds = array<i64: 1, 128>}, {pipeline_mode = #tpu.pipeline_mode<synchronous>, transform_indices = @transform_6, window_bounds = array<i64: 1, 128>}, {pipeline_mode = #tpu.pipeline_mode<synchronous>, transform_indices = @transform_7, window_bounds = array<i64: 128, 128>}, {pipeline_mode = #tpu.pipeline_mode<synchronous>, transform_indices = @transform_8, window_bounds = array<i64: 1, 128>}, {pipeline_mode = #tpu.pipeline_mode<synchronous>, transform_indices = @transform_9, window_bounds = array<i64: 1, 128>}, {pipeline_mode = #tpu.pipeline_mode<synchronous>, transform_indices = @transform_10, window_bounds = array<i64: 1, 128>}, {transform_indices = @transform_11, window_bounds = array<i64: 4096, 128>}]} {
    %eq3A = arith.constant 0 : i32
    %eq3A_0 = arith.cmpi eq, %arg0, %eq3A : i32
    %convert_element_type3A = arith.extui %eq3A_0 : i1 to i32
    %cond3A = arith.constant 0 : i32
    %cond3A_1 = arith.cmpi ne, %convert_element_type3A, %cond3A : i32
    scf.if %cond3A_1 {
      %broadcast_in_dim3A = arith.constant 0.000000e+00 : f32
      %broadcast_in_dim3A_17 = vector.broadcast %broadcast_in_dim3A : f32 to vector<1x128xf32>
      %swap3A = arith.constant 0 : index
      %swap3A_18 = arith.constant 0 : index
      %swap3A_19 = vector.load %arg14[%swap3A, %swap3A_18] : memref<1x128xf32, #tpu.memory_space<vmem>>, vector<1x128xf32>
      tpu.vector_store %arg14[%swap3A, %swap3A_18], %broadcast_in_dim3A_17 {strides = array<i32>} : memref<1x128xf32, #tpu.memory_space<vmem>>, vector<1x128xf32>,
      %broadcast_in_dim3A_20 = arith.constant 0.000000e+00 : f32
      %broadcast_in_dim3A_21 = vector.broadcast %broadcast_in_dim3A_20 : f32 to vector<1x128xf32>
      %swap3A_22 = arith.constant 0 : index
      %swap3A_23 = arith.constant 0 : index
      %swap3A_24 = vector.load %arg15[%swap3A_22, %swap3A_23] : memref<1x128xf32, #tpu.memory_space<vmem>>, vector<1x128xf32>
      tpu.vector_store %arg15[%swap3A_22, %swap3A_23], %broadcast_in_dim3A_21 {strides = array<i32>} : memref<1x128xf32, #tpu.memory_space<vmem>>, vector<1x128xf32>,
      %broadcast_in_dim3A_25 = arith.constant 0.000000e+00 : f32
      %broadcast_in_dim3A_26 = vector.broadcast %broadcast_in_dim3A_25 : f32 to vector<1x128xf32>
      %swap3A_27 = arith.constant 0 : index
      %swap3A_28 = arith.constant 0 : index
      %swap3A_29 = vector.load %arg16[%swap3A_27, %swap3A_28] : memref<1x128xf32, #tpu.memory_space<vmem>>, vector<1x128xf32>
      tpu.vector_store %arg16[%swap3A_27, %swap3A_28], %broadcast_in_dim3A_26 {strides = array<i32>} : memref<1x128xf32, #tpu.memory_space<vmem>>, vector<1x128xf32>,
      %broadcast_in_dim3A_30 = arith.constant 0.000000e+00 : f32
      %broadcast_in_dim3A_31 = vector.broadcast %broadcast_in_dim3A_30 : f32 to vector<1x128xf32>
      %swap3A_32 = arith.constant 0 : index
      %swap3A_33 = arith.constant 0 : index
      %swap3A_34 = vector.load %arg17[%swap3A_32, %swap3A_33] : memref<1x128xf32, #tpu.memory_space<vmem>>, vector<1x128xf32>
      tpu.vector_store %arg17[%swap3A_32, %swap3A_33], %broadcast_in_dim3A_31 {strides = array<i32>} : memref<1x128xf32, #tpu.memory_space<vmem>>, vector<1x128xf32>,
    } else {
    }
    %lt3A = arith.constant 8 : i32
    %lt3A_2 = arith.cmpi slt, %arg0, %lt3A : i32
    %convert_element_type3A_3 = arith.extui %lt3A_2 : i1 to i32
    %cond3A_4 = arith.constant 0 : i32
    %cond3A_5 = arith.cmpi ne, %convert_element_type3A_3, %cond3A_4 : i32
    scf.if %cond3A_5 {
      %get3A = arith.constant 0 : index
      %get3A_17 = arith.constant 0 : index
      %get3A_18 = vector.load %arg1[%get3A, %get3A_17] : memref<4096x64xf32, #tpu.memory_space<vmem>>, vector<4096x64xf32>
      %get3A_19 = arith.constant 0 : index
      %get3A_20 = arith.constant 0 : index
      %get3A_21 = vector.load %arg3[%get3A_19, %get3A_20] : memref<64x128xf32, #tpu.memory_space<vmem>>, vector<64x128xf32>
      %dot_general3A = arith.constant dense<0.000000e+00> : vector<4096x128xf32>
      %dot_general3A_22 = tpu.matmul %get3A_18, %get3A_21, %dot_general3A {dimension_numbers = #tpu.dot_dimension_numbers<[1], [0], [0], [1], [0, 0, 1, 1], [], []>, transpose_lhs_hint = false} : vector<4096x64xf32>, vector<64x128xf32>, vector<4096x128xf32> -> vector<4096x128xf32>
      %get3A_23 = arith.constant 0 : index
      %get3A_24 = arith.constant 0 : index
      %get3A_25 = vector.load %arg2[%get3A_23, %get3A_24] : memref<4096x128xf32, #tpu.memory_space<vmem>>, vector<4096x128xf32>
      %get3A_26 = arith.constant 0 : index
      %get3A_27 = arith.constant 0 : index
      %get3A_28 = vector.load %arg4[%get3A_26, %get3A_27] : memref<128x128xf32, #tpu.memory_space<vmem>>, vector<128x128xf32>
      %dot_general3A_29 = arith.constant dense<0.000000e+00> : vector<4096x128xf32>
      %dot_general3A_30 = tpu.matmul %get3A_25, %get3A_28, %dot_general3A_29 {dimension_numbers = #tpu.dot_dimension_numbers<[1], [0], [0], [1], [0, 0, 1, 1], [], []>, transpose_lhs_hint = false} : vector<4096x128xf32>, vector<128x128xf32>, vector<4096x128xf32> -> vector<4096x128xf32>
      %add3A = arith.addf %dot_general3A_22, %dot_general3A_30 : vector<4096x128xf32>
      %get3A_31 = arith.constant 0 : index
      %get3A_32 = arith.constant 0 : index
      %get3A_33 = vector.load %arg5[%get3A_31, %get3A_32] : memref<1x128xf32, #tpu.memory_space<vmem>>, vector<1x128xf32>
      %add3A_34 = vector.broadcast %get3A_33 : vector<1x128xf32> to vector<4096x128xf32>
      %add3A_35 = arith.addf %add3A, %add3A_34 : vector<4096x128xf32>
      %mul3A = arith.constant 4096 : i32
      %mul3A_36 = arith.muli %arg0, %mul3A : i32
      %multiple_of3A = tpu.assume_multiple %mul3A_36, 4096 : i32
      %swap3A = arith.index_cast %multiple_of3A : i32 to index
      %swap3A_37 = arith.constant 0 : index
      %swap3A_38 = vector.load %arg13[%swap3A, %swap3A_37] : memref<32768x128xf32, #tpu.memory_space<vmem>>, vector<4096x128xf32>
      tpu.vector_store %arg13[%swap3A, %swap3A_37], %add3A_35 {strides = array<i32>} : memref<32768x128xf32, #tpu.memory_space<vmem>>, vector<4096x128xf32>,
      %get3A_39 = arith.constant 0 : index
      %get3A_40 = arith.constant 0 : index
      %get3A_41 = vector.load %arg14[%get3A_39, %get3A_40] : memref<1x128xf32, #tpu.memory_space<vmem>>, vector<1x128xf32>
      %reduce_sum3A = arith.constant dense<0.000000e+00> : vector<128xf32>
      %reduce_sum3A_42 = vector.multi_reduction <add>, %add3A_35, %reduce_sum3A [0] : vector<4096x128xf32> to vector<128xf32>
      %broadcast_in_dim3A = vector.shape_cast %reduce_sum3A_42 : vector<128xf32> to vector<1x128xf32>
      %add3A_43 = arith.addf %get3A_41, %broadcast_in_dim3A : vector<1x128xf32>
      %swap3A_44 = arith.constant 0 : index
      %swap3A_45 = arith.constant 0 : index
      %swap3A_46 = vector.load %arg14[%swap3A_44, %swap3A_45] : memref<1x128xf32, #tpu.memory_space<vmem>>, vector<1x128xf32>
      tpu.vector_store %arg14[%swap3A_44, %swap3A_45], %add3A_43 {strides = array<i32>} : memref<1x128xf32, #tpu.memory_space<vmem>>, vector<1x128xf32>,
      %get3A_47 = arith.constant 0 : index
      %get3A_48 = arith.constant 0 : index
      %get3A_49 = vector.load %arg15[%get3A_47, %get3A_48] : memref<1x128xf32, #tpu.memory_space<vmem>>, vector<1x128xf32>
      %mul3A_50 = arith.mulf %add3A_35, %add3A_35 : vector<4096x128xf32>
      %reduce_sum3A_51 = arith.constant dense<0.000000e+00> : vector<128xf32>
      %reduce_sum3A_52 = vector.multi_reduction <add>, %mul3A_50, %reduce_sum3A_51 [0] : vector<4096x128xf32> to vector<128xf32>
      %broadcast_in_dim3A_53 = vector.shape_cast %reduce_sum3A_52 : vector<128xf32> to vector<1x128xf32>
      %add3A_54 = arith.addf %get3A_49, %broadcast_in_dim3A_53 : vector<1x128xf32>
      %swap3A_55 = arith.constant 0 : index
      %swap3A_56 = arith.constant 0 : index
      %swap3A_57 = vector.load %arg15[%swap3A_55, %swap3A_56] : memref<1x128xf32, #tpu.memory_space<vmem>>, vector<1x128xf32>
      tpu.vector_store %arg15[%swap3A_55, %swap3A_56], %add3A_54 {strides = array<i32>} : memref<1x128xf32, #tpu.memory_space<vmem>>, vector<1x128xf32>,
    } else {
    }
    %ge3A = arith.constant 8 : i32
    %ge3A_6 = arith.cmpi sge, %arg0, %ge3A : i32
    %lt3A_7 = arith.constant 16 : i32
    %lt3A_8 = arith.cmpi slt, %arg0, %lt3A_7 : i32
    %and3A = arith.andi %ge3A_6, %lt3A_8 : i1
    %convert_element_type3A_9 = arith.extui %and3A : i1 to i32
    %cond3A_10 = arith.constant 0 : i32
    %cond3A_11 = arith.cmpi ne, %convert_element_type3A_9, %cond3A_10 : i32
    scf.if %cond3A_11 {
      %sub3A = arith.constant 8 : i32
      %sub3A_17 = arith.subi %arg0, %sub3A : i32
      %mul3A = arith.constant 4096 : i32
      %mul3A_18 = arith.muli %sub3A_17, %mul3A : i32
      %multiple_of3A = tpu.assume_multiple %mul3A_18, 4096 : i32
      %get3A = arith.index_cast %multiple_of3A : i32 to index
      %get3A_19 = arith.constant 0 : index
      %get3A_20 = vector.load %arg13[%get3A, %get3A_19] : memref<32768x128xf32, #tpu.memory_space<vmem>>, vector<4096x128xf32>
      %get3A_21 = arith.constant 0 : index
      %get3A_22 = arith.constant 0 : index
      %get3A_23 = vector.load %arg14[%get3A_21, %get3A_22] : memref<1x128xf32, #tpu.memory_space<vmem>>, vector<1x128xf32>
      %get3A_24 = arith.constant 0 : index
      %get3A_25 = arith.constant 0 : index
      %get3A_26 = vector.load %arg15[%get3A_24, %get3A_25] : memref<1x128xf32, #tpu.memory_space<vmem>>, vector<1x128xf32>
      %get3A_27 = arith.constant 0 : index
      %get3A_28 = arith.constant 0 : index
      %get3A_29 = vector.load %arg6[%get3A_27, %get3A_28] : memref<1x128xf32, #tpu.memory_space<vmem>>, vector<1x128xf32>
      %get3A_30 = arith.constant 0 : index
      %get3A_31 = arith.constant 0 : index
      %get3A_32 = vector.load %arg7[%get3A_30, %get3A_31] : memref<1x128xf32, #tpu.memory_space<vmem>>, vector<1x128xf32>
      %mul3A_33 = arith.constant 3.05175781E-5 : f32
      %mul3A_34 = vector.broadcast %mul3A_33 : f32 to vector<1x128xf32>
      %mul3A_35 = arith.mulf %get3A_23, %mul3A_34 : vector<1x128xf32>
      %mul3A_36 = arith.constant 3.05175781E-5 : f32
      %mul3A_37 = vector.broadcast %mul3A_36 : f32 to vector<1x128xf32>
      %mul3A_38 = arith.mulf %get3A_26, %mul3A_37 : vector<1x128xf32>
      %mul3A_39 = arith.mulf %mul3A_35, %mul3A_35 : vector<1x128xf32>
      %sub3A_40 = arith.subf %mul3A_38, %mul3A_39 : vector<1x128xf32>
      %add3A = arith.constant 9.99999974E-6 : f32
      %add3A_41 = vector.broadcast %add3A : f32 to vector<1x128xf32>
      %add3A_42 = arith.addf %sub3A_40, %add3A_41 : vector<1x128xf32>
      %rsqrt3A = math.rsqrt %add3A_42 : vector<1x128xf32>
      %sub3A_43 = vector.broadcast %mul3A_35 : vector<1x128xf32> to vector<4096x128xf32>
      %sub3A_44 = arith.subf %get3A_20, %sub3A_43 : vector<4096x128xf32>
      %mul3A_45 = arith.mulf %rsqrt3A, %get3A_29 : vector<1x128xf32>
      %mul3A_46 = vector.broadcast %mul3A_45 : vector<1x128xf32> to vector<4096x128xf32>
      %mul3A_47 = arith.mulf %sub3A_44, %mul3A_46 : vector<4096x128xf32>
      %add3A_48 = vector.broadcast %get3A_32 : vector<1x128xf32> to vector<4096x128xf32>
      %add3A_49 = arith.addf %mul3A_47, %add3A_48 : vector<4096x128xf32>
      %max3A = arith.constant 0.000000e+00 : f32
      %max3A_50 = vector.broadcast %max3A : f32 to vector<4096x128xf32>
      %max3A_51 = arith.maximumf %add3A_49, %max3A_50 : vector<4096x128xf32>
      %get3A_52 = arith.constant 0 : index
      %get3A_53 = arith.constant 0 : index
      %get3A_54 = vector.load %arg8[%get3A_52, %get3A_53] : memref<128x128xf32, #tpu.memory_space<vmem>>, vector<128x128xf32>
      %dot_general3A = arith.constant dense<0.000000e+00> : vector<4096x128xf32>
      %dot_general3A_55 = tpu.matmul %max3A_51, %get3A_54, %dot_general3A {dimension_numbers = #tpu.dot_dimension_numbers<[1], [0], [0], [1], [0, 0, 1, 1], [], []>, transpose_lhs_hint = false} : vector<4096x128xf32>, vector<128x128xf32>, vector<4096x128xf32> -> vector<4096x128xf32>
      %get3A_56 = arith.constant 0 : index
      %get3A_57 = arith.constant 0 : index
      %get3A_58 = vector.load %arg9[%get3A_56, %get3A_57] : memref<1x128xf32, #tpu.memory_space<vmem>>, vector<1x128xf32>
      %add3A_59 = vector.broadcast %get3A_58 : vector<1x128xf32> to vector<4096x128xf32>
      %add3A_60 = arith.addf %dot_general3A_55, %add3A_59 : vector<4096x128xf32>
      %get3A_61 = arith.constant 0 : index
      %get3A_62 = arith.constant 0 : index
      %get3A_63 = vector.load %arg16[%get3A_61, %get3A_62] : memref<1x128xf32, #tpu.memory_space<vmem>>, vector<1x128xf32>
      %reduce_sum3A = arith.constant dense<0.000000e+00> : vector<128xf32>
      %reduce_sum3A_64 = vector.multi_reduction <add>, %add3A_60, %reduce_sum3A [0] : vector<4096x128xf32> to vector<128xf32>
      %broadcast_in_dim3A = vector.shape_cast %reduce_sum3A_64 : vector<128xf32> to vector<1x128xf32>
      %add3A_65 = arith.addf %get3A_63, %broadcast_in_dim3A : vector<1x128xf32>
      %swap3A = arith.constant 0 : index
      %swap3A_66 = arith.constant 0 : index
      %swap3A_67 = vector.load %arg16[%swap3A, %swap3A_66] : memref<1x128xf32, #tpu.memory_space<vmem>>, vector<1x128xf32>
      tpu.vector_store %arg16[%swap3A, %swap3A_66], %add3A_65 {strides = array<i32>} : memref<1x128xf32, #tpu.memory_space<vmem>>, vector<1x128xf32>,
      %get3A_68 = arith.constant 0 : index
      %get3A_69 = arith.constant 0 : index
      %get3A_70 = vector.load %arg17[%get3A_68, %get3A_69] : memref<1x128xf32, #tpu.memory_space<vmem>>, vector<1x128xf32>
      %mul3A_71 = arith.mulf %add3A_60, %add3A_60 : vector<4096x128xf32>
      %reduce_sum3A_72 = arith.constant dense<0.000000e+00> : vector<128xf32>
      %reduce_sum3A_73 = vector.multi_reduction <add>, %mul3A_71, %reduce_sum3A_72 [0] : vector<4096x128xf32> to vector<128xf32>
      %broadcast_in_dim3A_74 = vector.shape_cast %reduce_sum3A_73 : vector<128xf32> to vector<1x128xf32>
      %add3A_75 = arith.addf %get3A_70, %broadcast_in_dim3A_74 : vector<1x128xf32>
      %swap3A_76 = arith.constant 0 : index
      %swap3A_77 = arith.constant 0 : index
      %swap3A_78 = vector.load %arg17[%swap3A_76, %swap3A_77] : memref<1x128xf32, #tpu.memory_space<vmem>>, vector<1x128xf32>
      tpu.vector_store %arg17[%swap3A_76, %swap3A_77], %add3A_75 {strides = array<i32>} : memref<1x128xf32, #tpu.memory_space<vmem>>, vector<1x128xf32>,
    } else {
    }
    %ge3A_12 = arith.constant 16 : i32
    %ge3A_13 = arith.cmpi sge, %arg0, %ge3A_12 : i32
    %convert_element_type3A_14 = arith.extui %ge3A_13 : i1 to i32
    %cond3A_15 = arith.constant 0 : i32
    %cond3A_16 = arith.cmpi ne, %convert_element_type3A_14, %cond3A_15 : i32
    scf.if %cond3A_16 {
      %sub3A = arith.constant 16 : i32
      %sub3A_17 = arith.subi %arg0, %sub3A : i32
      %mul3A = arith.constant 4096 : i32
      %mul3A_18 = arith.muli %sub3A_17, %mul3A : i32
      %multiple_of3A = tpu.assume_multiple %mul3A_18, 4096 : i32
      %get3A = arith.index_cast %multiple_of3A : i32 to index
      %get3A_19 = arith.constant 0 : index
      %get3A_20 = vector.load %arg13[%get3A, %get3A_19] : memref<32768x128xf32, #tpu.memory_space<vmem>>, vector<4096x128xf32>
      %get3A_21 = arith.constant 0 : index
      %get3A_22 = arith.constant 0 : index
      %get3A_23 = vector.load %arg14[%get3A_21, %get3A_22] : memref<1x128xf32, #tpu.memory_space<vmem>>, vector<1x128xf32>
      %get3A_24 = arith.constant 0 : index
      %get3A_25 = arith.constant 0 : index
      %get3A_26 = vector.load %arg15[%get3A_24, %get3A_25] : memref<1x128xf32, #tpu.memory_space<vmem>>, vector<1x128xf32>
      %get3A_27 = arith.constant 0 : index
      %get3A_28 = arith.constant 0 : index
      %get3A_29 = vector.load %arg6[%get3A_27, %get3A_28] : memref<1x128xf32, #tpu.memory_space<vmem>>, vector<1x128xf32>
      %get3A_30 = arith.constant 0 : index
      %get3A_31 = arith.constant 0 : index
      %get3A_32 = vector.load %arg7[%get3A_30, %get3A_31] : memref<1x128xf32, #tpu.memory_space<vmem>>, vector<1x128xf32>
      %mul3A_33 = arith.constant 3.05175781E-5 : f32
      %mul3A_34 = vector.broadcast %mul3A_33 : f32 to vector<1x128xf32>
      %mul3A_35 = arith.mulf %get3A_23, %mul3A_34 : vector<1x128xf32>
      %mul3A_36 = arith.constant 3.05175781E-5 : f32
      %mul3A_37 = vector.broadcast %mul3A_36 : f32 to vector<1x128xf32>
      %mul3A_38 = arith.mulf %get3A_26, %mul3A_37 : vector<1x128xf32>
      %mul3A_39 = arith.mulf %mul3A_35, %mul3A_35 : vector<1x128xf32>
      %sub3A_40 = arith.subf %mul3A_38, %mul3A_39 : vector<1x128xf32>
      %add3A = arith.constant 9.99999974E-6 : f32
      %add3A_41 = vector.broadcast %add3A : f32 to vector<1x128xf32>
      %add3A_42 = arith.addf %sub3A_40, %add3A_41 : vector<1x128xf32>
      %rsqrt3A = math.rsqrt %add3A_42 : vector<1x128xf32>
      %sub3A_43 = vector.broadcast %mul3A_35 : vector<1x128xf32> to vector<4096x128xf32>
      %sub3A_44 = arith.subf %get3A_20, %sub3A_43 : vector<4096x128xf32>
      %mul3A_45 = arith.mulf %rsqrt3A, %get3A_29 : vector<1x128xf32>
      %mul3A_46 = vector.broadcast %mul3A_45 : vector<1x128xf32> to vector<4096x128xf32>
      %mul3A_47 = arith.mulf %sub3A_44, %mul3A_46 : vector<4096x128xf32>
      %add3A_48 = vector.broadcast %get3A_32 : vector<1x128xf32> to vector<4096x128xf32>
      %add3A_49 = arith.addf %mul3A_47, %add3A_48 : vector<4096x128xf32>
      %max3A = arith.constant 0.000000e+00 : f32
      %max3A_50 = vector.broadcast %max3A : f32 to vector<4096x128xf32>
      %max3A_51 = arith.maximumf %add3A_49, %max3A_50 : vector<4096x128xf32>
      %get3A_52 = arith.constant 0 : index
      %get3A_53 = arith.constant 0 : index
      %get3A_54 = vector.load %arg8[%get3A_52, %get3A_53] : memref<128x128xf32, #tpu.memory_space<vmem>>, vector<128x128xf32>
      %dot_general3A = arith.constant dense<0.000000e+00> : vector<4096x128xf32>
      %dot_general3A_55 = tpu.matmul %max3A_51, %get3A_54, %dot_general3A {dimension_numbers = #tpu.dot_dimension_numbers<[1], [0], [0], [1], [0, 0, 1, 1], [], []>, transpose_lhs_hint = false} : vector<4096x128xf32>, vector<128x128xf32>, vector<4096x128xf32> -> vector<4096x128xf32>
      %get3A_56 = arith.constant 0 : index
      %get3A_57 = arith.constant 0 : index
      %get3A_58 = vector.load %arg9[%get3A_56, %get3A_57] : memref<1x128xf32, #tpu.memory_space<vmem>>, vector<1x128xf32>
      %add3A_59 = vector.broadcast %get3A_58 : vector<1x128xf32> to vector<4096x128xf32>
      %add3A_60 = arith.addf %dot_general3A_55, %add3A_59 : vector<4096x128xf32>
      %get3A_61 = arith.constant 0 : index
      %get3A_62 = arith.constant 0 : index
      %get3A_63 = vector.load %arg16[%get3A_61, %get3A_62] : memref<1x128xf32, #tpu.memory_space<vmem>>, vector<1x128xf32>
      %get3A_64 = arith.constant 0 : index
      %get3A_65 = arith.constant 0 : index
      %get3A_66 = vector.load %arg17[%get3A_64, %get3A_65] : memref<1x128xf32, #tpu.memory_space<vmem>>, vector<1x128xf32>
      %get3A_67 = arith.constant 0 : index
      %get3A_68 = arith.constant 0 : index
      %get3A_69 = vector.load %arg10[%get3A_67, %get3A_68] : memref<1x128xf32, #tpu.memory_space<vmem>>, vector<1x128xf32>
      %get3A_70 = arith.constant 0 : index
      %get3A_71 = arith.constant 0 : index
      %get3A_72 = vector.load %arg11[%get3A_70, %get3A_71] : memref<1x128xf32, #tpu.memory_space<vmem>>, vector<1x128xf32>
      %mul3A_73 = arith.constant 3.05175781E-5 : f32
      %mul3A_74 = vector.broadcast %mul3A_73 : f32 to vector<1x128xf32>
      %mul3A_75 = arith.mulf %get3A_63, %mul3A_74 : vector<1x128xf32>
      %mul3A_76 = arith.constant 3.05175781E-5 : f32
      %mul3A_77 = vector.broadcast %mul3A_76 : f32 to vector<1x128xf32>
      %mul3A_78 = arith.mulf %get3A_66, %mul3A_77 : vector<1x128xf32>
      %mul3A_79 = arith.mulf %mul3A_75, %mul3A_75 : vector<1x128xf32>
      %sub3A_80 = arith.subf %mul3A_78, %mul3A_79 : vector<1x128xf32>
      %add3A_81 = arith.constant 9.99999974E-6 : f32
      %add3A_82 = vector.broadcast %add3A_81 : f32 to vector<1x128xf32>
      %add3A_83 = arith.addf %sub3A_80, %add3A_82 : vector<1x128xf32>
      %rsqrt3A_84 = math.rsqrt %add3A_83 : vector<1x128xf32>
      %sub3A_85 = vector.broadcast %mul3A_75 : vector<1x128xf32> to vector<4096x128xf32>
      %sub3A_86 = arith.subf %add3A_60, %sub3A_85 : vector<4096x128xf32>
      %mul3A_87 = arith.mulf %rsqrt3A_84, %get3A_69 : vector<1x128xf32>
      %mul3A_88 = vector.broadcast %mul3A_87 : vector<1x128xf32> to vector<4096x128xf32>
      %mul3A_89 = arith.mulf %sub3A_86, %mul3A_88 : vector<4096x128xf32>
      %add3A_90 = vector.broadcast %get3A_72 : vector<1x128xf32> to vector<4096x128xf32>
      %add3A_91 = arith.addf %mul3A_89, %add3A_90 : vector<4096x128xf32>
      %max3A_92 = arith.constant 0.000000e+00 : f32
      %max3A_93 = vector.broadcast %max3A_92 : f32 to vector<4096x128xf32>
      %max3A_94 = arith.maximumf %add3A_91, %max3A_93 : vector<4096x128xf32>
      %swap3A = arith.constant 0 : index
      %swap3A_95 = arith.constant 0 : index
      %swap3A_96 = vector.load %arg12[%swap3A, %swap3A_95] : memref<4096x128xf32, #tpu.memory_space<vmem>>, vector<4096x128xf32>
      tpu.vector_store %arg12[%swap3A, %swap3A_95], %max3A_94 {strides = array<i32>} : memref<4096x128xf32, #tpu.memory_space<vmem>>, vector<4096x128xf32>,
    } else {
    }
    return
  }
  func.func @transform_0(%arg0: i32) -> (i32, i32) {
    %min3A = arith.constant 7 : i32
    %min3A_0 = arith.minsi %arg0, %min3A : i32
    %c0_i32 = arith.constant 0 : i32
    %c0_i32_1 = arith.constant 0 : i32
    return %min3A_0, %c0_i32 : i32, i32
  }
  func.func @transform_1(%arg0: i32) -> (i32, i32) {
    %min3A = arith.constant 7 : i32
    %min3A_0 = arith.minsi %arg0, %min3A : i32
    %c0_i32 = arith.constant 0 : i32
    %c0_i32_1 = arith.constant 0 : i32
    return %min3A_0, %c0_i32 : i32, i32
  }
  func.func @transform_2(%arg0: i32) -> (i32, i32) {
    %c0_i32 = arith.constant 0 : i32
    %c0_i32_0 = arith.constant 0 : i32
    %c0_i32_1 = arith.constant 0 : i32
    return %c0_i32, %c0_i32_0 : i32, i32
  }
  func.func @transform_3(%arg0: i32) -> (i32, i32) {
    %c0_i32 = arith.constant 0 : i32
    %c0_i32_0 = arith.constant 0 : i32
    %c0_i32_1 = arith.constant 0 : i32
    return %c0_i32, %c0_i32_0 : i32, i32
  }
  func.func @transform_4(%arg0: i32) -> (i32, i32) {
    %c0_i32 = arith.constant 0 : i32
    %c0_i32_0 = arith.constant 0 : i32
    %c0_i32_1 = arith.constant 0 : i32
    return %c0_i32, %c0_i32_0 : i32, i32
  }
  func.func @transform_5(%arg0: i32) -> (i32, i32) {
    %c0_i32 = arith.constant 0 : i32
    %c0_i32_0 = arith.constant 0 : i32
    %c0_i32_1 = arith.constant 0 : i32
    return %c0_i32, %c0_i32_0 : i32, i32
  }
  func.func @transform_6(%arg0: i32) -> (i32, i32) {
    %c0_i32 = arith.constant 0 : i32
    %c0_i32_0 = arith.constant 0 : i32
    %c0_i32_1 = arith.constant 0 : i32
    return %c0_i32, %c0_i32_0 : i32, i32
  }
  func.func @transform_7(%arg0: i32) -> (i32, i32) {
    %c0_i32 = arith.constant 0 : i32
    %c0_i32_0 = arith.constant 0 : i32
    %c0_i32_1 = arith.constant 0 : i32
    return %c0_i32, %c0_i32_0 : i32, i32
  }
  func.func @transform_8(%arg0: i32) -> (i32, i32) {
    %c0_i32 = arith.constant 0 : i32
    %c0_i32_0 = arith.constant 0 : i32
    %c0_i32_1 = arith.constant 0 : i32
    return %c0_i32, %c0_i32_0 : i32, i32
  }
  func.func @transform_9(%arg0: i32) -> (i32, i32) {
    %c0_i32 = arith.constant 0 : i32
    %c0_i32_0 = arith.constant 0 : i32
    %c0_i32_1 = arith.constant 0 : i32
    return %c0_i32, %c0_i32_0 : i32, i32
  }
  func.func @transform_10(%arg0: i32) -> (i32, i32) {
    %c0_i32 = arith.constant 0 : i32
    %c0_i32_0 = arith.constant 0 : i32
    %c0_i32_1 = arith.constant 0 : i32
    return %c0_i32, %c0_i32_0 : i32, i32
  }
  func.func @transform_11(%arg0: i32) -> (i32, i32) {
    %sub3A = arith.constant 16 : i32
    %sub3A_0 = arith.subi %arg0, %sub3A : i32
    %max3A = arith.constant 0 : i32
    %max3A_1 = arith.maxsi %sub3A_0, %max3A : i32
    %c0_i32 = arith.constant 0 : i32
    %c0_i32_2 = arith.constant 0 : i32
    return %max3A_1, %c0_i32 : i32, i32
  }
}

module attributes {stable_mosaic.version = 14 : i64} {
  func.func @_k1(%arg0: i32, %arg1: i32, %arg2: memref<1x1024x3xf32, #tpu.memory_space<vmem>>, %arg3: memref<1x3x1024xf32, #tpu.memory_space<vmem>>, %arg4: memref<1x1024x3xi32, #tpu.memory_space<vmem>>, %arg5: memref<1x1024x3xf32, #tpu.memory_space<vmem>>) attributes {dimension_semantics = [#tpu.dimension_semantics<arbitrary>, #tpu.dimension_semantics<arbitrary>], iteration_bounds = array<i64: 8, 4>, scalar_prefetch = 0 : i64, scratch_operands = 0 : i64, tpu.core_type = #tpu.core_type<tc>, window_params = [{transform_indices = @transform_0, window_bounds = array<i64: 1, 1024, 3>}, {transform_indices = @transform_1, window_bounds = array<i64: 1, 3, 1024>}, {transform_indices = @transform_2, window_bounds = array<i64: 1, 1024, 3>}, {transform_indices = @transform_3, window_bounds = array<i64: 1, 1024, 3>}]} {
    %get3A = arith.constant 0 : index
    %get3A_0 = arith.constant 0 : index
    %get3A_1 = arith.constant 0 : index
    %get3A_2 = vector.load %arg2[%get3A, %get3A_0, %get3A_1] : memref<1x1024x3xf32, #tpu.memory_space<vmem>>, vector<1x1024x3xf32>
    %get3A_3 = vector.shape_cast %get3A_2 : vector<1x1024x3xf32> to vector<1024x3xf32>
    %get3A_4 = arith.constant 0 : index
    %get3A_5 = arith.constant 0 : index
    %get3A_6 = arith.constant 0 : index
    %get3A_7 = vector.load %arg3[%get3A_4, %get3A_5, %get3A_6] : memref<1x3x1024xf32, #tpu.memory_space<vmem>>, vector<1x3x1024xf32>
    %get3A_8 = vector.shape_cast %get3A_7 : vector<1x3x1024xf32> to vector<3x1024xf32>
    %broadcast_in_dim3A = arith.constant 0.000000e+00 : f32
    %broadcast_in_dim3A_9 = vector.broadcast %broadcast_in_dim3A : f32 to vector<1024x1024xf32>
    %slice3A = vector.extract_strided_slice %get3A_3 {offsets = [0, 0], sizes = [1024, 1], strides = [1, 1]} : vector<1024x3xf32> to vector<1024x1xf32>
    %slice3A_10 = vector.extract_strided_slice %get3A_8 {offsets = [0, 0], sizes = [1, 1024], strides = [1, 1]} : vector<3x1024xf32> to vector<1x1024xf32>
    %sub3A = vector.broadcast %slice3A : vector<1024x1xf32> to vector<1024x1024xf32>
    %sub3A_11 = vector.broadcast %slice3A_10 : vector<1x1024xf32> to vector<1024x1024xf32>
    %sub3A_12 = arith.subf %sub3A, %sub3A_11 : vector<1024x1024xf32>
    %mul3A = arith.mulf %sub3A_12, %sub3A_12 : vector<1024x1024xf32>
    %add3A = arith.addf %broadcast_in_dim3A_9, %mul3A : vector<1024x1024xf32>
    %slice3A_13 = vector.extract_strided_slice %get3A_3 {offsets = [0, 1], sizes = [1024, 1], strides = [1, 1]} : vector<1024x3xf32> to vector<1024x1xf32>
    %slice3A_14 = vector.extract_strided_slice %get3A_8 {offsets = [1, 0], sizes = [1, 1024], strides = [1, 1]} : vector<3x1024xf32> to vector<1x1024xf32>
    %sub3A_15 = vector.broadcast %slice3A_13 : vector<1024x1xf32> to vector<1024x1024xf32>
    %sub3A_16 = vector.broadcast %slice3A_14 : vector<1x1024xf32> to vector<1024x1024xf32>
    %sub3A_17 = arith.subf %sub3A_15, %sub3A_16 : vector<1024x1024xf32>
    %mul3A_18 = arith.mulf %sub3A_17, %sub3A_17 : vector<1024x1024xf32>
    %add3A_19 = arith.addf %add3A, %mul3A_18 : vector<1024x1024xf32>
    %slice3A_20 = vector.extract_strided_slice %get3A_3 {offsets = [0, 2], sizes = [1024, 1], strides = [1, 1]} : vector<1024x3xf32> to vector<1024x1xf32>
    %slice3A_21 = vector.extract_strided_slice %get3A_8 {offsets = [2, 0], sizes = [1, 1024], strides = [1, 1]} : vector<3x1024xf32> to vector<1x1024xf32>
    %sub3A_22 = vector.broadcast %slice3A_20 : vector<1024x1xf32> to vector<1024x1024xf32>
    %sub3A_23 = vector.broadcast %slice3A_21 : vector<1x1024xf32> to vector<1024x1024xf32>
    %sub3A_24 = arith.subf %sub3A_22, %sub3A_23 : vector<1024x1024xf32>
    %mul3A_25 = arith.mulf %sub3A_24, %sub3A_24 : vector<1024x1024xf32>
    %add3A_26 = arith.addf %add3A_19, %mul3A_25 : vector<1024x1024xf32>
    %iota3A = tpu.iota {dimensions = array<i32: 1>} : vector<1024x1024xi32>
    %mul3A_27 = arith.constant 1024 : i32
    %mul3A_28 = arith.muli %arg0, %mul3A_27 : i32
    %reduce_min3A = arith.constant dense<0x7F800000> : vector<1024xf32>
    %reduce_min3A_29 = vector.multi_reduction <minimumf>, %add3A_26, %reduce_min3A [1] : vector<1024x1024xf32> to vector<1024xf32>
    %broadcast_in_dim3A_30 = vector.shape_cast %reduce_min3A_29 : vector<1024xf32> to vector<1024x1xf32>
    %eq3A = vector.broadcast %broadcast_in_dim3A_30 : vector<1024x1xf32> to vector<1024x1024xf32>
    %eq3A_31 = arith.cmpf oeq, %add3A_26, %eq3A : vector<1024x1024xf32>
    %jit3A = arith.constant 1024 : i32
    %broadcast_in_dim3A_32 = vector.broadcast %jit3A : i32 to vector<1024x1024xi32>
    %select_n3A = arith.select %eq3A_31, %iota3A, %broadcast_in_dim3A_32 : vector<1024x1024xi1>, vector<1024x1024xi32>
    %reduce_min3A_33 = arith.constant dense<2147483647> : vector<1024xi32>
    %reduce_min3A_34 = vector.multi_reduction <minsi>, %select_n3A, %reduce_min3A_33 [1] : vector<1024x1024xi32> to vector<1024xi32>
    %broadcast_in_dim3A_35 = vector.shape_cast %reduce_min3A_34 : vector<1024xi32> to vector<1024x1xi32>
    %add3A_36 = arith.constant 9.99999993E-9 : f32
    %add3A_37 = vector.broadcast %add3A_36 : f32 to vector<1024x1xf32>
    %add3A_38 = arith.addf %broadcast_in_dim3A_30, %add3A_37 : vector<1024x1xf32>
    %div3A = arith.constant 1.000000e+00 : f32
    %div3A_39 = vector.broadcast %div3A : f32 to vector<1024x1xf32>
    %div3A_40 = arith.divf %div3A_39, %add3A_38 : vector<1024x1xf32>
    %eq3A_41 = vector.broadcast %broadcast_in_dim3A_35 : vector<1024x1xi32> to vector<1024x1024xi32>
    %eq3A_42 = arith.cmpi eq, %iota3A, %eq3A_41 : vector<1024x1024xi32>
    %jit3A_43 = arith.constant 1.000000e+30 : f32
    %broadcast_in_dim3A_44 = vector.broadcast %jit3A_43 : f32 to vector<1024x1024xf32>
    %select_n3A_45 = arith.select %eq3A_42, %broadcast_in_dim3A_44, %add3A_26 : vector<1024x1024xi1>, vector<1024x1024xf32>
    %add3A_46 = vector.broadcast %mul3A_28 : i32 to vector<1024x1xi32>
    %add3A_47 = arith.addi %broadcast_in_dim3A_35, %add3A_46 : vector<1024x1xi32>
    %reduce_min3A_48 = arith.constant dense<0x7F800000> : vector<1024xf32>
    %reduce_min3A_49 = vector.multi_reduction <minimumf>, %select_n3A_45, %reduce_min3A_48 [1] : vector<1024x1024xf32> to vector<1024xf32>
    %broadcast_in_dim3A_50 = vector.shape_cast %reduce_min3A_49 : vector<1024xf32> to vector<1024x1xf32>
    %eq3A_51 = vector.broadcast %broadcast_in_dim3A_50 : vector<1024x1xf32> to vector<1024x1024xf32>
    %eq3A_52 = arith.cmpf oeq, %select_n3A_45, %eq3A_51 : vector<1024x1024xf32>
    %jit3A_53 = arith.constant 1024 : i32
    %broadcast_in_dim3A_54 = vector.broadcast %jit3A_53 : i32 to vector<1024x1024xi32>
    %select_n3A_55 = arith.select %eq3A_52, %iota3A, %broadcast_in_dim3A_54 : vector<1024x1024xi1>, vector<1024x1024xi32>
    %reduce_min3A_56 = arith.constant dense<2147483647> : vector<1024xi32>
    %reduce_min3A_57 = vector.multi_reduction <minsi>, %select_n3A_55, %reduce_min3A_56 [1] : vector<1024x1024xi32> to vector<1024xi32>
    %broadcast_in_dim3A_58 = vector.shape_cast %reduce_min3A_57 : vector<1024xi32> to vector<1024x1xi32>
    %add3A_59 = arith.constant 9.99999993E-9 : f32
    %add3A_60 = vector.broadcast %add3A_59 : f32 to vector<1024x1xf32>
    %add3A_61 = arith.addf %broadcast_in_dim3A_50, %add3A_60 : vector<1024x1xf32>
    %div3A_62 = arith.constant 1.000000e+00 : f32
    %div3A_63 = vector.broadcast %div3A_62 : f32 to vector<1024x1xf32>
    %div3A_64 = arith.divf %div3A_63, %add3A_61 : vector<1024x1xf32>
    %eq3A_65 = vector.broadcast %broadcast_in_dim3A_58 : vector<1024x1xi32> to vector<1024x1024xi32>
    %eq3A_66 = arith.cmpi eq, %iota3A, %eq3A_65 : vector<1024x1024xi32>
    %jit3A_67 = arith.constant 1.000000e+30 : f32
    %broadcast_in_dim3A_68 = vector.broadcast %jit3A_67 : f32 to vector<1024x1024xf32>
    %select_n3A_69 = arith.select %eq3A_66, %broadcast_in_dim3A_68, %select_n3A_45 : vector<1024x1024xi1>, vector<1024x1024xf32>
    %add3A_70 = vector.broadcast %mul3A_28 : i32 to vector<1024x1xi32>
    %add3A_71 = arith.addi %broadcast_in_dim3A_58, %add3A_70 : vector<1024x1xi32>
    %add3A_72 = arith.addf %div3A_40, %div3A_64 : vector<1024x1xf32>
    %reduce_min3A_73 = arith.constant dense<0x7F800000> : vector<1024xf32>
    %reduce_min3A_74 = vector.multi_reduction <minimumf>, %select_n3A_69, %reduce_min3A_73 [1] : vector<1024x1024xf32> to vector<1024xf32>
    %broadcast_in_dim3A_75 = vector.shape_cast %reduce_min3A_74 : vector<1024xf32> to vector<1024x1xf32>
    %eq3A_76 = vector.broadcast %broadcast_in_dim3A_75 : vector<1024x1xf32> to vector<1024x1024xf32>
    %eq3A_77 = arith.cmpf oeq, %select_n3A_69, %eq3A_76 : vector<1024x1024xf32>
    %jit3A_78 = arith.constant 1024 : i32
    %broadcast_in_dim3A_79 = vector.broadcast %jit3A_78 : i32 to vector<1024x1024xi32>
    %select_n3A_80 = arith.select %eq3A_77, %iota3A, %broadcast_in_dim3A_79 : vector<1024x1024xi1>, vector<1024x1024xi32>
    %reduce_min3A_81 = arith.constant dense<2147483647> : vector<1024xi32>
    %reduce_min3A_82 = vector.multi_reduction <minsi>, %select_n3A_80, %reduce_min3A_81 [1] : vector<1024x1024xi32> to vector<1024xi32>
    %broadcast_in_dim3A_83 = vector.shape_cast %reduce_min3A_82 : vector<1024xi32> to vector<1024x1xi32>
    %add3A_84 = arith.constant 9.99999993E-9 : f32
    %add3A_85 = vector.broadcast %add3A_84 : f32 to vector<1024x1xf32>
    %add3A_86 = arith.addf %broadcast_in_dim3A_75, %add3A_85 : vector<1024x1xf32>
    %div3A_87 = arith.constant 1.000000e+00 : f32
    %div3A_88 = vector.broadcast %div3A_87 : f32 to vector<1024x1xf32>
    %div3A_89 = arith.divf %div3A_88, %add3A_86 : vector<1024x1xf32>
    %add3A_90 = vector.broadcast %mul3A_28 : i32 to vector<1024x1xi32>
    %add3A_91 = arith.addi %broadcast_in_dim3A_83, %add3A_90 : vector<1024x1xi32>
    %add3A_92 = arith.addf %add3A_72, %div3A_89 : vector<1024x1xf32>
    %concatenate3A = tpu.concatenate %add3A_47, %add3A_71, %add3A_91 in 1 : vector<1024x1xi32>, vector<1024x1xi32>, vector<1024x1xi32> -> vector<1024x3xi32>
    %swap3A = arith.constant 0 : index
    %swap3A_93 = arith.constant 0 : index
    %swap3A_94 = arith.constant 0 : index
    %swap3A_95 = vector.load %arg4[%swap3A, %swap3A_93, %swap3A_94] : memref<1x1024x3xi32, #tpu.memory_space<vmem>>, vector<1x1024x3xi32>
    %swap3A_96 = vector.shape_cast %swap3A_95 : vector<1x1024x3xi32> to vector<1024x3xi32>
    %swap3A_97 = vector.shape_cast %concatenate3A : vector<1024x3xi32> to vector<1x1024x3xi32>
    tpu.vector_store %arg4[%swap3A, %swap3A_93, %swap3A_94], %swap3A_97 {strides = array<i32>} : memref<1x1024x3xi32, #tpu.memory_space<vmem>>, vector<1x1024x3xi32>,
    %div3A_98 = arith.divf %div3A_40, %add3A_92 : vector<1024x1xf32>
    %div3A_99 = arith.divf %div3A_64, %add3A_92 : vector<1024x1xf32>
    %div3A_100 = arith.divf %div3A_89, %add3A_92 : vector<1024x1xf32>
    %concatenate3A_101 = tpu.concatenate %div3A_98, %div3A_99, %div3A_100 in 1 : vector<1024x1xf32>, vector<1024x1xf32>, vector<1024x1xf32> -> vector<1024x3xf32>
    %swap3A_102 = arith.constant 0 : index
    %swap3A_103 = arith.constant 0 : index
    %swap3A_104 = arith.constant 0 : index
    %swap3A_105 = vector.load %arg5[%swap3A_102, %swap3A_103, %swap3A_104] : memref<1x1024x3xf32, #tpu.memory_space<vmem>>, vector<1x1024x3xf32>
    %swap3A_106 = vector.shape_cast %swap3A_105 : vector<1x1024x3xf32> to vector<1024x3xf32>
    %swap3A_107 = vector.shape_cast %concatenate3A_101 : vector<1024x3xf32> to vector<1x1024x3xf32>
    tpu.vector_store %arg5[%swap3A_102, %swap3A_103, %swap3A_104], %swap3A_107 {strides = array<i32>} : memref<1x1024x3xf32, #tpu.memory_space<vmem>>, vector<1x1024x3xf32>,
    return
  }
  func.func @transform_0(%arg0: i32, %arg1: i32) -> (i32, i32, i32) {
    %c0_i32 = arith.constant 0 : i32
    %c0_i32_0 = arith.constant 0 : i32
    return %arg0, %arg1, %c0_i32 : i32, i32, i32
  }
  func.func @transform_1(%arg0: i32, %arg1: i32) -> (i32, i32, i32) {
    %c0_i32 = arith.constant 0 : i32
    %c0_i32_0 = arith.constant 0 : i32
    %c0_i32_1 = arith.constant 0 : i32
    return %arg0, %c0_i32, %c0_i32_0 : i32, i32, i32
  }
  func.func @transform_2(%arg0: i32, %arg1: i32) -> (i32, i32, i32) {
    %c0_i32 = arith.constant 0 : i32
    %c0_i32_0 = arith.constant 0 : i32
    return %arg0, %arg1, %c0_i32 : i32, i32, i32
  }
  func.func @transform_3(%arg0: i32, %arg1: i32) -> (i32, i32, i32) {
    %c0_i32 = arith.constant 0 : i32
    %c0_i32_0 = arith.constant 0 : i32
    return %arg0, %arg1, %c0_i32 : i32, i32, i32
  }
}

</mosaic_0001>

<sc_bundles>
// kernel: kernel.5.cloned.1.call-start
scs
__scs_entry_jumppad:
0x0: {  	(pc) =	sbr.rel $0x88, $3  }
0x1: {  	(tag) =	ssettag $0x0;
	lr =	simm.s32 $0x1  }
0x2: {  	[smem:$0x3F95] =	sst lr;
	_ =	strace $0xD0000000  }
0x3: {  	_ = 	snop  }
0x4: {  	_ = 	snop  }
0x5: {  	_ = 	snop  }
0x6: {  	_ = 	snop  }
0x7: {  	_ = 	snop  }
__scs_overlays_trampoline_lowered:
0x8: {  	[smem:$0x3FA4] =	sst s0  }
0x9: {  	[smem:$0x3FA5] =	sst s1  }
0xa: {  	[smem:$0x3FA6] =	sst s2  }
0xb: {  	[smem:$0x3FA7] =	sst s3  }
0xc: {  	[smem:$0x3FA8] =	sst s4  }
0xd: {  	[smem:$0x3FA9] =	sst s5  }
0xe: {  	[smem:$0x3FAA] =	sst s6  }
0xf: {  	[smem:$0x3FAB] =	sst s7  }
0x10: {  	[smem:$0x3FAC] =	sst s8  }
0x11: {  	[smem:$0x3FAD] =	sst s9;
	s0 =	simm.s32 @!p0 $0x0  }
0x12: {  	s1 =	sld [smem:$0x3F93];
	s0 =	simm.s32 @p0 $0x1  }
0x13: {  	[smem:$0x3FAE] =	sst s0;
	s0 =	simm.s32 @!p1 $0x0  }
0x14: {  	s2 =	sld [smem:$0x3F92];
	s0 =	simm.s32 @p1 $0x1  }
0x15: {  	[smem:$0x3FAF] =	sst s0;
	s0 =	simm.s32 @!p2 $0x0  }
0x16: {  	s3 =	sld [smem:$0x3FDB];
	s0 =	simm.s32 @p2 $0x1  }
0x17: {  	s4 =	simm.s32 $0x1BF5;
	[smem:$0x3FB1] =	sst s0  }
0x18: {  	s0 =	sld [smem:$0x3F94];
	_ =	swait.ge [sflag:s4], $0x0  }
0x19: {  	s7 =	sld [smem:$0x3F95]  }
0x1a: {  	s8 =	sadd.s32 $0xFFFFE003, lr  }
0x1b: {  	s9 =	sadd.s32 $0xFFFFFEF7, lr;
	s5 =	simm.s32 $0xFFFFFFFF;
	p2 =	slt.u32 s8, $0xFFFFF086  }
0x1c: {  	p1 =	slt.u32 s9, $0xF7A;
	s5 =	simm.s32 @!p2 $0x0  }
0x1d: {  	s5 =	simm.s32 @p1 $0x1;
	p0 =	seq.s32 s7, s2  }
0x1e: {  	s7 =	smul.u32 @!p0 $0xF7A, s2;
	p2 =	seq.s32 @!p0 s5, $0x0  }
0x1f: {  	s9 =	smul.u32 $0xF7A, s1;
	s8 =	simm.s32 @!p0 $0x1BF5;
	p2 =	por !p2, p0  }
0x20: {  	[sflag:s8] =	ssyncset.s32 @!p0 $0xFFFFF086;
	s6 =	sadd.s32 @!p0 s3, s7;
	s7 =	simm.s32 @!p0 $0x108  }
0x21: {  	s3 =	sadd.s32 s3, s9;
	s6 =	sadd.s32 @!p0 $0x88, s6;
	s7 =	simm.s32 @p2 $0x1082  }
0x22: {  	[simem:s7], [sflag:s8] =	dma.local @!p0 [hbm:s6], $0xF7A  }
0x23: {  	s9 =	sor.u32 $0xD0000000, s2;
	s6 =	simm.s32 $0x108;
	_ =	swait.ge @!p0 [sflag:s8], $0x0  }
0x24: {  	s3 =	sadd.s32 $0x88, s3;
	s6 =	simm.s32 @!p1 $0x1082;
	[sflag:s4] =	ssyncset.s32 $0xFFFFF086  }
0x25: {  	[simem:s6], [sflag:s4] =	dma.local [hbm:s3], $0xF7A  }
0x26: {  	[smem:$0x3F95] =	sst s1;
	(tag) =	ssettag s2;
	_ =	strace s9  }
0x27: {  	s1 =	sld [smem:$0x3FA5]  }
0x28: {  	s2 =	sld [smem:$0x3FA6]  }
0x29: {  	s4 =	sld [smem:$0x3FA8]  }
0x2a: {  	p0 =	seq.s32 s5, $0x0;
	s5 =	sld [smem:$0x3FA9]  }
0x2b: {  	s6 =	sld [smem:$0x3FAA]  }
0x2c: {  	s7 =	sld [smem:$0x3FAB]  }
0x2d: {  	s3 =	simm.s32 $0x108;
	s8 =	sld [smem:$0x3FAC]  }
0x2e: {  	s3 =	simm.s32 @!p0 $0x1082;
	s9 =	sld [smem:$0x3FAD]  }
0x2f: {  	lr =	sadd.s32 s0, s3;
	s0 =	sld [smem:$0x3FA4]  }
0x30: {  	s3 =	sld [smem:$0x3FA7]  }
0x31: {  	[smem:$0x3FB0] =	sst s10  }
0x32: {  	s10 =	sld [smem:$0x3FAE];
	_ =	sdelay $0x3  }
0x33: {  	p0 =	seq.s32 s10, $0x1;
	s10 =	sld [smem:$0x3FB0];
	_ =	sdelay $0x3  }
0x34: {  	[smem:$0x3FB0] =	sst s10  }
0x35: {  	s10 =	sld [smem:$0x3FAF];
	_ =	sdelay $0x3  }
0x36: {  	p1 =	seq.s32 s10, $0x1;
	s10 =	sld [smem:$0x3FB0];
	_ =	sdelay $0x3  }
0x37: {  	[smem:$0x3FB0] =	sst s10  }
0x38: {  	s10 =	sld [smem:$0x3FB1]  }
0x39: {  	_ = 	snop;
	(pc) =	sbr.ind lr, $3  }
0x3a: {  	_ = 	snop  }
0x3b: {  	_ = 	snop  }
0x3c: {  	p2 =	seq.s32 s10, $0x1;
	s10 =	sld [smem:$0x3FB0]  }
0x3d: {  	_ =	shalt  }
0x3e: {  	_ =	shalt  }
0x3f: {  	_ =	shalt  }
0x40: {  	_ =	shalt  }
0x41: {  	_ =	shalt  }
0x42: {  	_ =	shalt  }
0x43: {  	_ =	shalt  }
0x44: {  	_ =	shalt  }
0x45: {  	_ =	shalt  }
0x46: {  	_ =	shalt  }
0x47: {  	_ =	shalt  }
0x48: {  	_ =	shalt  }
0x49: {  	_ =	shalt  }
0x4a: {  	_ =	shalt  }
0x4b: {  	_ =	shalt  }
0x4c: {  	_ =	shalt  }
0x4d: {  	_ =	shalt  }
0x4e: {  	_ =	shalt  }
0x4f: {  	_ =	shalt  }
0x50: {  	_ =	shalt  }
0x51: {  	_ =	shalt  }
0x52: {  	_ =	shalt  }
0x53: {  	_ =	shalt  }
0x54: {  	_ =	shalt  }
0x55: {  	_ =	shalt  }
0x56: {  	_ =	shalt  }
0x57: {  	_ =	shalt  }
0x58: {  	_ =	shalt  }
0x59: {  	_ =	shalt  }
0x5a: {  	_ =	shalt  }
0x5b: {  	_ =	shalt  }
0x5c: {  	_ =	shalt  }
0x5d: {  	_ =	shalt  }
0x5e: {  	_ =	shalt  }
0x5f: {  	_ =	shalt  }
0x60: {  	_ =	shalt  }
0x61: {  	_ =	shalt  }
0x62: {  	_ =	shalt  }
0x63: {  	_ =	shalt  }
0x64: {  	_ =	shalt  }
0x65: {  	_ =	shalt  }
0x66: {  	_ =	shalt  }
0x67: {  	_ =	shalt  }
0x68: {  	_ =	shalt  }
0x69: {  	_ =	shalt  }
0x6a: {  	_ =	shalt  }
0x6b: {  	_ =	shalt  }
0x6c: {  	_ =	shalt  }
0x6d: {  	_ =	shalt  }
0x6e: {  	_ =	shalt  }
0x6f: {  	_ =	shalt  }
0x70: {  	_ =	shalt  }
0x71: {  	_ =	shalt  }
0x72: {  	_ =	shalt  }
0x73: {  	_ =	shalt  }
0x74: {  	_ =	shalt  }
0x75: {  	_ =	shalt  }
0x76: {  	_ =	shalt  }
0x77: {  	_ =	shalt  }
0x78: {  	_ =	shalt  }
0x79: {  	_ =	shalt  }
0x7a: {  	_ =	shalt  }
0x7b: {  	_ =	shalt  }
0x7c: {  	_ =	shalt  }
0x7d: {  	_ =	shalt  }
0x7e: {  	_ =	shalt  }
0x7f: {  	_ =	shalt  }
0x80: {  	_ =	shalt  }
0x81: {  	_ =	shalt  }
0x82: {  	_ =	shalt  }
0x83: {  	_ =	shalt  }
0x84: {  	_ =	shalt  }
0x85: {  	_ =	shalt  }
0x86: {  	_ =	shalt  }
0x87: {  	_ =	shalt  }
.Lfunc_end0:
.L_simem_size_0:
called_computation_lowered:
.L_overlay_start_0:
0x88: {  	s2 =	sld [smem:$0x3FD9]  }
0x89: {  	s3 =	sld [smem:$0x3FFE];
	_ =	sdelay $0x1  }
0x8a: {  	s1 =	srdreg.scid  }
0x8b: {  	s0 =	sand.u32 $0x1, s1  }
0x8c: {  	s17 =	sshll.u32 s0, $0xA;
	s2 =	sadd.s32 s3, s2  }
0x8d: {  	s2 =	sadd.s32 s2, s17  }
0x8e: {  	[smem:$0x3FBC] =	sst s2  }
0x8f: {  	_ = 	snop  }
0x90: {  	s2 =	sld [smem:$0x3FC6]  }
0x91: {  	s18 =	sld [smem:$0x3FD0];
	(tm) =	ssettm $0x1  }
0x92: {  	s4 =	sld [smem:$0x3FFB];
	_ =	sdelay $0x3  }
0x93: {  	_ =	strace s4  }
0x94: {  	s4 =	sld [smem:$0x3FFC];
	_ =	sdelay $0x3  }
0x95: {  	_ =	strace s4  }
0x96: {  	s4 =	sld [smem:$0x3FFD];
	_ =	sdelay $0x3  }
0x97: {  	_ =	strace s4  }
0x98: {  	_ =	strace $0x8FFFFFFF  }
0x99: {  	s19 =	sld [smem:$0x3FDB];
	_ =	sdelay $0x1  }
0x9a: {  	s5 =	simm.s32 $_scs_section_size  }
0x9b: {  	s6 =	simm.s32 $_size__tile_overlayer_lowered;
	s7 =	simm.s32 $_tile_overlayer_lowered  }
0x9c: {  	s22 =	simm.s32 $0x1BFF;
	s21 =	sshll.u32 s7, $0x1;
	s4 =	sadd.s32 s5, s19  }
0x9d: {  	s8 =	simm.s32 $0x0;
	s20 =	sshll.u32 s6, $0x1;
	s6 =	sadd.s32 s21, s4  }
0x9e: {  	[timem:s8], [sflag:s22] =	dma.local [hbm:s6], s20  }
0x9f: {  	_ =	swait.ge [sflag:s22], s20  }
0xa0: {  	s5 =	ssub.s32 $0x0, s20;
	[sflag:s22] =	ssyncset.done $0x0  }
0xa1: {  	[sflag:s22] =	ssyncadd.s32 s5;
	_ =	sdelay $0x1  }
0xa2: {  	s23 =	simm.s32 $0x1B8B  }
0xa3: {  	_ =	swait.ge [sflag:s23], $0x1  }
0xa4: {  	[sflag:s23] =	ssyncset.done $0x0  }
0xa5: {  	s25 =	simm.s32 $0x1B8E;
	s24 =	sld [smem:$0x3FFE];
	[sflag:s23] =	ssyncadd.s32 $0xFFFFFFFF  }
0xa6: {  	s26 =	simm.s32 $execute0_lowered;
	[smem:$0x3FD2] =	sst s25  }
0xa7: {  	s6 =	sshll.u32 s26, $0x1;
	_ =	strace $0x80000046;
	[dreg:$0x1] =	wrdreg $0xFFFFFFFF  }
0xa8: {  	s28 =	simm.s32 $_size_execute0_lowered;
	s4 =	sadd.s32 s4, s6;
	[dreg:$0x0] =	wrdreg $0x0  }
0xa9: {  	s6 =	sshll.u32 s28, $0x1;
	[dreg:$0x2] =	wrdreg s4  }
0xaa: {  	[dreg:$0x3] =	wrdreg s6  }
0xab: {  	[dreg:$0x4] =	wrdreg $0xC0  }
0xac: {  	_ =	task [dreg:s8], $0x5FFFF  }
0xad: {  	[dreg:$0x1] =	wrdreg $0xFFFFFFFF  }
0xae: {  	[dreg:$0x0] =	wrdreg $0x60  }
0xaf: {  	[dreg:$0x2] =	wrdreg s18  }
0xb0: {  	[dreg:$0x3] =	wrdreg s24  }
0xb1: {  	[dreg:$0x4] =	wrdreg s2  }
0xb2: {  	[dreg:$0x5] =	wrdreg $0x9  }
0xb3: {  	_ =	task.clear_ibuf [dreg:s8], $0x6FFFF;
	_ =	strace $0x90000046  }
0xb4: {  	s29 =	simm.s32 $0x9;
	_ =	strace $0x80000048  }
0xb5: {  	_ =	swait.ge [sflag:s29], $0x1  }
0xb6: {  	[sflag:s29] =	ssyncadd.s32 $0xFFFFFFFF  }
0xb7: {  	_ =	strace $0x90000048  }
0xb8: {  	_ =	sfence  }
0xb9: {  	s30 =	sld [smem:$0x0];
	_ =	sdelay $0x2  }
0xba: {  	s31 =	sshll.u32 s1, $0xD;
	s1 =	sshrl.u32 s1, $0x2  }
0xbb: {  	s3 =	sand.u32 $0x4000, s31;
	s1 =	sadd.s32 s1, s30  }
0xbc: {  	s0 =	sor.u32 s3, s0;
	s1 =	sshll.u32 s1, $0x11  }
0xbd: {  	s0 =	sor.u32 s1, s0  }
0xbe: {  	s0 =	sadd.s32 $0x8F2B, s0  }
0xbf: {  	[sflag:s0] =	ssyncadd.remote.s32 $0x1  }
0xc0: {  	_ =	sfence.sel $0xFFFF  }
0xc1: {  	[dreg:$0x0] =	wrdreg $0xFFFFFFFF;
	(pc) =	sbr.abs _section_cstart, $3  }
0xc2: {  	[dreg:$0x1] =	wrdreg $0xFFFFFFFF  }
0xc3: {  	_ =	task.clear_ibuf [dreg:s8], $0x2FFFF;
	_ =	strace $0x9FFFFFFF  }
0xc4: {  	(tm) =	ssettm $0x7FFFFFFF  }
0xc5: {  	_ =	shalt  }
tec
execute0_lowered:
.L_overlay_start_1:
0x0: {  	(tag) =	ssettag $0x1  }
0x1: {  	s1 =	rddreg [dreg:$0x0]  }
0x2: {  	s6 =	rddreg [dreg:$0x1]  }
0x3: {  	s3 =	rddreg [dreg:$0x2]  }
0x4: {  	s0 =	rddreg [dreg:$0x3]  }
0x5: {  	s5 =	srdreg.scid;
	s2 =	stileid.u32  }
0x6: {  	s4 =	simm.s32 $0x0;
	s14 =	simm.s32 $0x300;
	s15 =	simm.s32 $0x180  }
0x7: {  	s16 =	simm.s32 $0x700;
	s17 =	simm.s32 $0x500;
	s18 =	simm.s32 $0xC700  }
0x8: {  	s19 =	simm.s32 $0x1;
	s20 =	simm.s32 $0x18700;
	s21 =	simm.s32 $0x2  }
0x9: {  	s22 =	simm.s32 $0x0;
	s5 =	sand.u32 $0x1, s5;
	s7 =	sshll.u32 s2, $0x1  }
0xa: {  	[smem:$0x7FF] =	sst s4;
	s8 =	ssub.s32 $0x2, s5;
	s9 =	sor.u32 s5, s7  }
0xb: {  	_ =	strace $0x80000047;
	s5 =	sadd.s32 $0x82000, s6;
	s6 =	sadd.s32 $0x2000, s6  }
0xc: {  	s31 =	sshrl.u32 s8, $0x1;
	s10 =	smul.u32 $0x180, s9;
	s11 =	sshll.u32 s9, $0xA  }
0xd: {  	s13 =	sshll.u32 s9, $0xE;
	s12 =	ssub.s32 s8, s31;
	s9 =	sor.u32 $0x80, s11  }
0xe: {  	s11 =	sor.u32 $0x100, s11;
	s7 =	sadd.s32 s1, s10;
	s8 =	sadd.s32 s5, s10  }
0xf: {  	s10 =	sadd.s32 s6, s13;
	s12 =	smax.u32 s12, $0x1;
	s13 =	simm.s32 $0x3  }
.LBB2_1:
0x10: {  	[tilespmem:s4], [sflag:$0x3] =	stream.linear.gather [hbm4b:s7+s4], $0x180, $0x38;
	[tilespmem:$0x1C700] =	vst v63  }
0x11: {  	_ =	swait.ge [sflag:s13], $0x180  }
0x12: {  	[sflag:s13] =	ssyncset.done $0x0  }
0x13: {  	[sflag:s13] =	ssyncadd.s32 $0xFFFFFE80  }
0x14: {  	[tilespmem:s14], [sflag:$0x3] =	stream.linear.gather [hbm4b:s8+s4], $0x180, $0x38;
	[tilespmem:$0x1C700] =	vst v63  }
0x15: {  	_ =	swait.ge [sflag:s13], $0x180  }
0x16: {  	[sflag:s13] =	ssyncset.done $0x0  }
0x17: {  	s23 =	simm.s32 $0x0;
	[sflag:s13] =	ssyncadd.s32 $0xFFFFFE80  }
0x18: {  	[tilespmem:s16], [sflag:$0x1] =	stream.indirect.gather [hbm4b:s3+s15], $0x80, s4, s15, $0xb8;
	[tilespmem:$0x1C700] =	vst v63  }
.LBB2_2:
0x19: {  	s24 =	sshll.u32 s23, $0x8  }
0x1a: {  	s24 =	sadd.s32 s9, s24  }
0x1b: {  	s25 =	smul.u32 $0x3, s24;
	_ =	sdelay $0x1  }
0x1c: {  	s25 =	sshrl.u32 s25, $0x3  }
0x1d: {  	s28 =	simm.s32 $0x0;
	s26 =	sadd.s32 s1, s25  }
0x1e: {  	[tilespmem:s15], [sflag:$0x3] =	stream.linear.gather [hbm4b:s26+s28], $0x180, $0x38;
	[tilespmem:$0x1C700] =	vst v63  }
0x1f: {  	_ =	swait.ge [sflag:s13], $0x180  }
0x20: {  	[sflag:s13] =	ssyncset.done $0x0  }
0x21: {  	s25 =	sadd.s32 s5, s25;
	[sflag:s13] =	ssyncadd.s32 $0xFFFFFE80  }
0x22: {  	[tilespmem:s17], [sflag:$0x3] =	stream.linear.gather [hbm4b:s25+s28], $0x180, $0x38;
	[tilespmem:$0x1C700] =	vst v63  }
0x23: {  	_ =	swait.ge [sflag:s13], $0x180  }
0x24: {  	[sflag:s13] =	ssyncset.done $0x0  }
0x25: {  	[sflag:s13] =	ssyncadd.s32 $0xFFFFFE80  }
0x26: {  	[tilespmem:s18], [sflag:$0x2] =	stream.indirect.gather [hbm4b:s3+s15], $0x80, s15, s15, $0xb8;
	[tilespmem:$0x1C700] =	vst v63  }
0x27: {  	_ =	swait.ge [sflag:s19], $0xC000  }
0x28: {  	[sflag:s19] =	ssyncset.done $0x0  }
0x29: {  	s31 =	simm.s32 $0x0;
	[sflag:s19] =	ssyncadd.s32 $0xFFFF4000  }
0x2a: {  	s25 =	simm.s32 $0x7C0;
	v1 =	vld [tilespmem:s31+$0x300]  }
0x2b: {  	v3 =	vld [tilespmem:s25+$0xFFFFFF40]  }
0x2c: {  	v4 =	vld [tilespmem:s25+$0xFFFFFFC0];
	_ =	sdelay $0x1  }
0x2d: {  	v5 =	vld [tilespmem:s25+$0x40]  }
0x2e: {  	v0 =	vbroadcast v1, $0x0;
	v2 =	vbroadcast v1, $0x1  }
0x2f: {  	v1 =	vbroadcast v1, $0x2  }
0x30: {  	v3 =	vmul.f32 v0, v3;
	v4 =	vmul.f32 v4, v2;
	_ =	sdelay $0x1  }
0x31: {  	v49 =	vmul.f32 v5, v1;
	v3 =	vadd.f32 v4, v3;
	_ =	sdelay $0x1  }
0x32: {  	v3 =	vadd.f32 v49, v3  }
0x33: {  	s26 =	simm.s32 $0x18740  }
0x34: {  	[tilespmem:s26+$0xFFFFFFC0] =	vst v3  }
0x35: {  	v3 =	vld [tilespmem:s25+$0xFFFFFF50]  }
0x36: {  	v50 =	vld [tilespmem:s25+$0xFFFFFFD0];
	_ =	sdelay $0x1  }
0x37: {  	v51 =	vld [tilespmem:s25+$0x50];
	_ =	sdelay $0x2  }
0x38: {  	v3 =	vmul.f32 v3, v0;
	v4 =	vmul.f32 v50, v2;
	_ =	sdelay $0x1  }
0x39: {  	v5 =	vmul.f32 v51, v1;
	v3 =	vadd.f32 v4, v3;
	_ =	sdelay $0x1  }
0x3a: {  	v3 =	vadd.f32 v5, v3;
	_ =	sdelay $0x1  }
0x3b: {  	[tilespmem:s26+$0xFFFFFFD0] =	vst v3  }
0x3c: {  	v3 =	vld [tilespmem:s25+$0xFFFFFF60]  }
0x3d: {  	v52 =	vld [tilespmem:s25+$0xFFFFFFE0];
	_ =	sdelay $0x1  }
0x3e: {  	v53 =	vld [tilespmem:s25+$0x60];
	_ =	sdelay $0x2  }
0x3f: {  	v3 =	vmul.f32 v3, v0;
	v4 =	vmul.f32 v52, v2;
	_ =	sdelay $0x1  }
0x40: {  	v54 =	vmul.f32 v53, v1;
	v3 =	vadd.f32 v4, v3;
	_ =	sdelay $0x1  }
0x41: {  	v3 =	vadd.f32 v54, v3;
	_ =	sdelay $0x1  }
0x42: {  	[tilespmem:s26+$0xFFFFFFE0] =	vst v3  }
0x43: {  	v3 =	vld [tilespmem:s25+$0xFFFFFF70]  }
0x44: {  	v55 =	vld [tilespmem:s25+$0xFFFFFFF0];
	_ =	sdelay $0x1  }
0x45: {  	v56 =	vld [tilespmem:s25+$0x70];
	_ =	sdelay $0x2  }
0x46: {  	v3 =	vmul.f32 v3, v0;
	v4 =	vmul.f32 v55, v2;
	_ =	sdelay $0x1  }
0x47: {  	v5 =	vmul.f32 v56, v1;
	v3 =	vadd.f32 v4, v3;
	_ =	sdelay $0x1  }
0x48: {  	v3 =	vadd.f32 v5, v3;
	_ =	sdelay $0x1  }
0x49: {  	[tilespmem:s26+$0xFFFFFFF0] =	vst v3  }
0x4a: {  	v3 =	vld [tilespmem:s25+$0xFFFFFF80]  }
0x4b: {  	v57 =	vld [tilespmem:s25+$0x0];
	_ =	sdelay $0x1  }
0x4c: {  	v58 =	vld [tilespmem:s25+$0x80];
	_ =	sdelay $0x2  }
0x4d: {  	v3 =	vmul.f32 v3, v0;
	v4 =	vmul.f32 v57, v2;
	_ =	sdelay $0x1  }
0x4e: {  	v59 =	vmul.f32 v58, v1;
	v3 =	vadd.f32 v4, v3;
	_ =	sdelay $0x1  }
0x4f: {  	v3 =	vadd.f32 v59, v3;
	_ =	sdelay $0x1  }
0x50: {  	[tilespmem:s26+$0x0] =	vst v3  }
0x51: {  	v3 =	vld [tilespmem:s25+$0xFFFFFF90]  }
0x52: {  	v60 =	vld [tilespmem:s25+$0x10];
	_ =	sdelay $0x1  }
0x53: {  	v61 =	vld [tilespmem:s25+$0x90];
	_ =	sdelay $0x2  }
0x54: {  	v3 =	vmul.f32 v3, v0;
	v4 =	vmul.f32 v60, v2;
	_ =	sdelay $0x1  }
0x55: {  	v5 =	vmul.f32 v61, v1;
	v3 =	vadd.f32 v4, v3;
	_ =	sdelay $0x1  }
0x56: {  	v3 =	vadd.f32 v5, v3;
	_ =	sdelay $0x1  }
0x57: {  	[tilespmem:s26+$0x10] =	vst v3  }
0x58: {  	v3 =	vld [tilespmem:s25+$0xFFFFFFA0]  }
0x59: {  	v62 =	vld [tilespmem:s25+$0x20];
	_ =	sdelay $0x1  }
0x5a: {  	v63 =	vld [tilespmem:s25+$0xA0];
	_ =	sdelay $0x2  }
0x5b: {  	v3 =	vmul.f32 v3, v0;
	v4 =	vmul.f32 v62, v2;
	_ =	sdelay $0x1  }
0x5c: {  	v5 =	vmul.f32 v63, v1;
	v3 =	vadd.f32 v4, v3;
	_ =	sdelay $0x1  }
0x5d: {  	v3 =	vadd.f32 v5, v3;
	_ =	sdelay $0x1  }
0x5e: {  	s29 =	simm.s32 $0xC;
	s30 =	simm.s32 $0x7C0;
	s28 =	simm.s32 $0x18740;
	[tilespmem:s26+$0x20] =	vst v3  }
.LBB2_3:
0x5f: {  	p0 =	sne.s32 s29, $0x5F4;
	v3 =	vld [tilespmem:s25+$0x30];
	s26 =	sadd.s32 $0x80, s26;
	s30 =	sadd.s32 $0x180, s30  }
0x60: {  	s31 =	smov.u32 s29;
	s29 =	sadd.s32 $0xC, s29;
	v4 =	vld [tilespmem:s25+$0xFFFFFFB0]  }
0x61: {  	v5 =	vld [tilespmem:s25+$0xB0];
	s25 =	smov.u32 s30;
	_ =	sdelay $0x2  }
0x62: {  	v2 =	vmul.f32 v3, v2  }
0x63: {  	v0 =	vmul.f32 v4, v0  }
0x64: {  	s31 =	sshra.s32 s31, $0x2;
	v1 =	vmul.f32 v5, v1  }
0x65: {  	v0 =	vadd.f32 v2, v0;
	_ =	sdelay $0x1  }
0x66: {  	v0 =	vadd.f32 v1, v0;
	_ =	sdelay $0x1  }
0x67: {  	[tilespmem:s28+$0x30] =	vst v0;
	s28 =	smov.u32 s26  }
0x68: {  	v1 =	vld [tilespmem:s31+$0x300]  }
0x69: {  	v3 =	vld [tilespmem:s30+$0xFFFFFF40]  }
0x6a: {  	v4 =	vld [tilespmem:s30+$0xFFFFFFC0];
	_ =	sdelay $0x1  }
0x6b: {  	v5 =	vld [tilespmem:s30+$0x40]  }
0x6c: {  	v0 =	vbroadcast v1, $0x0;
	v2 =	vbroadcast v1, $0x1  }
0x6d: {  	v1 =	vbroadcast v1, $0x2  }
0x6e: {  	v3 =	vmul.f32 v0, v3;
	v4 =	vmul.f32 v4, v2;
	_ =	sdelay $0x1  }
0x6f: {  	v3 =	vadd.f32 v4, v3;
	v4 =	vmul.f32 v5, v1;
	_ =	sdelay $0x1  }
0x70: {  	v3 =	vadd.f32 v4, v3;
	_ =	sdelay $0x1  }
0x71: {  	[tilespmem:s26+$0xFFFFFFC0] =	vst v3  }
0x72: {  	v3 =	vld [tilespmem:s30+$0xFFFFFF50]  }
0x73: {  	v4 =	vld [tilespmem:s30+$0xFFFFFFD0]  }
0x74: {  	v5 =	vld [tilespmem:s30+$0x50];
	_ =	sdelay $0x2  }
0x75: {  	v3 =	vmul.f32 v3, v0  }
0x76: {  	v4 =	vmul.f32 v4, v2  }
0x77: {  	v5 =	vmul.f32 v5, v1  }
0x78: {  	v3 =	vadd.f32 v4, v3;
	_ =	sdelay $0x1  }
0x79: {  	v3 =	vadd.f32 v5, v3;
	_ =	sdelay $0x1  }
0x7a: {  	[tilespmem:s26+$0xFFFFFFD0] =	vst v3  }
0x7b: {  	v3 =	vld [tilespmem:s30+$0xFFFFFF60]  }
0x7c: {  	v4 =	vld [tilespmem:s30+$0xFFFFFFE0];
	_ =	sdelay $0x1  }
0x7d: {  	v5 =	vld [tilespmem:s30+$0x60];
	_ =	sdelay $0x1  }
0x7e: {  	v3 =	vmul.f32 v3, v0  }
0x7f: {  	v4 =	vmul.f32 v4, v2;
	_ =	sdelay $0x1  }
0x80: {  	v3 =	vadd.f32 v4, v3;
	v4 =	vmul.f32 v5, v1;
	_ =	sdelay $0x1  }
0x81: {  	v3 =	vadd.f32 v4, v3;
	_ =	sdelay $0x1  }
0x82: {  	[tilespmem:s26+$0xFFFFFFE0] =	vst v3  }
0x83: {  	v3 =	vld [tilespmem:s30+$0xFFFFFF70]  }
0x84: {  	v4 =	vld [tilespmem:s30+$0xFFFFFFF0]  }
0x85: {  	v5 =	vld [tilespmem:s30+$0x70];
	_ =	sdelay $0x2  }
0x86: {  	v3 =	vmul.f32 v3, v0  }
0x87: {  	v4 =	vmul.f32 v4, v2  }
0x88: {  	v5 =	vmul.f32 v5, v1  }
0x89: {  	v3 =	vadd.f32 v4, v3;
	_ =	sdelay $0x1  }
0x8a: {  	v3 =	vadd.f32 v5, v3;
	_ =	sdelay $0x1  }
0x8b: {  	[tilespmem:s26+$0xFFFFFFF0] =	vst v3  }
0x8c: {  	v3 =	vld [tilespmem:s30+$0xFFFFFF80]  }
0x8d: {  	v4 =	vld [tilespmem:s30+$0x0];
	_ =	sdelay $0x1  }
0x8e: {  	v5 =	vld [tilespmem:s30+$0x80];
	_ =	sdelay $0x1  }
0x8f: {  	v3 =	vmul.f32 v3, v0  }
0x90: {  	v4 =	vmul.f32 v4, v2;
	_ =	sdelay $0x1  }
0x91: {  	v3 =	vadd.f32 v4, v3;
	v4 =	vmul.f32 v5, v1;
	_ =	sdelay $0x1  }
0x92: {  	v3 =	vadd.f32 v4, v3;
	_ =	sdelay $0x1  }
0x93: {  	[tilespmem:s26+$0x0] =	vst v3  }
0x94: {  	v3 =	vld [tilespmem:s30+$0xFFFFFF90]  }
0x95: {  	v4 =	vld [tilespmem:s30+$0x10]  }
0x96: {  	v5 =	vld [tilespmem:s30+$0x90];
	_ =	sdelay $0x2  }
0x97: {  	v3 =	vmul.f32 v3, v0  }
0x98: {  	v4 =	vmul.f32 v4, v2  }
0x99: {  	v5 =	vmul.f32 v5, v1  }
0x9a: {  	v3 =	vadd.f32 v4, v3;
	_ =	sdelay $0x1  }
0x9b: {  	v3 =	vadd.f32 v5, v3;
	_ =	sdelay $0x1  }
0x9c: {  	[tilespmem:s26+$0x10] =	vst v3  }
0x9d: {  	v3 =	vld [tilespmem:s30+$0xFFFFFFA0]  }
0x9e: {  	v4 =	vld [tilespmem:s30+$0x20]  }
0x9f: {  	v5 =	vld [tilespmem:s30+$0xA0];
	_ =	sdelay $0x2  }
0xa0: {  	v3 =	vmul.f32 v3, v0  }
0xa1: {  	v4 =	vmul.f32 v4, v2  }
0xa2: {  	v5 =	vmul.f32 v5, v1  }
.Ltmp0:
0xa3: {  	v3 =	vadd.f32 v4, v3;
	(pc) =	sbr.rel @p0 .LBB2_3-.Ltmp0, $3  }
0xa4: {  	_ = 	snop  }
0xa5: {  	v3 =	vadd.f32 v5, v3;
	_ =	sdelay $0x1  }
0xa6: {  	[tilespmem:s26+$0x20] =	vst v3  }
0xa7: {  	v3 =	vld [tilespmem:s25+$0x30]  }
0xa8: {  	v4 =	vld [tilespmem:s25+$0xFFFFFFB0];
	_ =	sdelay $0x1  }
0xa9: {  	v5 =	vld [tilespmem:s25+$0xB0];
	_ =	sdelay $0x2  }
0xaa: {  	v2 =	vmul.f32 v3, v2;
	v0 =	vmul.f32 v4, v0;
	_ =	sdelay $0x1  }
0xab: {  	v1 =	vmul.f32 v5, v1;
	v0 =	vadd.f32 v2, v0;
	_ =	sdelay $0x1  }
0xac: {  	v0 =	vadd.f32 v1, v0  }
0xad: {  	s31 =	sshll.u32 s23, $0xC;
	s26 =	sshll.u32 s23, $0x1  }
0xae: {  	s25 =	sadd.s32 s31, s10;
	s26 =	smin.u32 s26, $0x5;
	[tilespmem:s28+$0x30] =	vst v0;
	s28 =	simm.s32 $0x0  }
0xaf: {  	[hbm4b:s25+s28] =	stream.linear.scatter [tilespmem:s20], [sflag:$0x3], $0x4000, $0x38;
	[tilespmem:$0x1C700] =	vst v63  }
0xb0: {  	s25 =	sshll.u32 s26, $0x7  }
0xb1: {  	s25 =	sadd.s32 s25, s11  }
0xb2: {  	s25 =	smul.u32 $0x3, s25  }
0xb3: {  	_ =	swait.ge [sflag:s13], $0x4000  }
0xb4: {  	[sflag:s13] =	ssyncset.done $0x0;
	s25 =	sshrl.u32 s25, $0x3  }
0xb5: {  	[sflag:s13] =	ssyncadd.s32 $0xFFFFC000;
	s31 =	sadd.s32 s1, s25  }
0xb6: {  	[tilespmem:s28], [sflag:$0x3] =	stream.linear.gather [hbm4b:s31+s28], $0x180, $0x38;
	[tilespmem:$0x1C700] =	vst v63  }
0xb7: {  	_ =	swait.ge [sflag:s13], $0x180  }
0xb8: {  	[sflag:s13] =	ssyncset.done $0x0  }
0xb9: {  	s25 =	sadd.s32 s5, s25;
	[sflag:s13] =	ssyncadd.s32 $0xFFFFFE80  }
0xba: {  	[tilespmem:s14], [sflag:$0x3] =	stream.linear.gather [hbm4b:s25+s28], $0x180, $0x38;
	[tilespmem:$0x1C700] =	vst v63  }
0xbb: {  	_ =	swait.ge [sflag:s13], $0x180  }
0xbc: {  	[sflag:s13] =	ssyncset.done $0x0  }
0xbd: {  	[sflag:s13] =	ssyncadd.s32 $0xFFFFFE80  }
0xbe: {  	[tilespmem:s16], [sflag:$0x1] =	stream.indirect.gather [hbm4b:s3+s15], $0x80, s28, s15, $0xb8;
	[tilespmem:$0x1C700] =	vst v63  }
0xbf: {  	_ =	swait.ge [sflag:s21], $0xC000  }
0xc0: {  	[sflag:s21] =	ssyncset.done $0x0  }
0xc1: {  	s31 =	simm.s32 $0x0;
	[sflag:s21] =	ssyncadd.s32 $0xFFFF4000  }
0xc2: {  	s25 =	simm.s32 $0xC7C0;
	v1 =	vld [tilespmem:s31+$0x500]  }
0xc3: {  	v3 =	vld [tilespmem:s25+$0xFFFFFF40]  }
0xc4: {  	v47 =	vld [tilespmem:s25+$0xFFFFFFC0];
	_ =	sdelay $0x1  }
0xc5: {  	v48 =	vld [tilespmem:s25+$0x40]  }
0xc6: {  	v0 =	vbroadcast v1, $0x0;
	v2 =	vbroadcast v1, $0x1  }
0xc7: {  	v1 =	vbroadcast v1, $0x2  }
0xc8: {  	v3 =	vmul.f32 v0, v3;
	v4 =	vmul.f32 v47, v2;
	_ =	sdelay $0x1  }
0xc9: {  	v49 =	vmul.f32 v48, v1;
	v3 =	vadd.f32 v4, v3;
	_ =	sdelay $0x1  }
0xca: {  	v3 =	vadd.f32 v49, v3  }
0xcb: {  	s26 =	simm.s32 $0x18740  }
0xcc: {  	[tilespmem:s26+$0xFFFFFFC0] =	vst v3  }
0xcd: {  	v3 =	vld [tilespmem:s25+$0xFFFFFF50]  }
0xce: {  	v50 =	vld [tilespmem:s25+$0xFFFFFFD0];
	_ =	sdelay $0x1  }
0xcf: {  	v51 =	vld [tilespmem:s25+$0x50];
	_ =	sdelay $0x2  }
0xd0: {  	v3 =	vmul.f32 v3, v0;
	v4 =	vmul.f32 v50, v2;
	_ =	sdelay $0x1  }
0xd1: {  	v5 =	vmul.f32 v51, v1;
	v3 =	vadd.f32 v4, v3;
	_ =	sdelay $0x1  }
0xd2: {  	v3 =	vadd.f32 v5, v3;
	_ =	sdelay $0x1  }
0xd3: {  	[tilespmem:s26+$0xFFFFFFD0] =	vst v3  }
0xd4: {  	v3 =	vld [tilespmem:s25+$0xFFFFFF60]  }
0xd5: {  	v52 =	vld [tilespmem:s25+$0xFFFFFFE0];
	_ =	sdelay $0x1  }
0xd6: {  	v53 =	vld [tilespmem:s25+$0x60];
	_ =	sdelay $0x2  }
0xd7: {  	v3 =	vmul.f32 v3, v0;
	v4 =	vmul.f32 v52, v2;
	_ =	sdelay $0x1  }
0xd8: {  	v54 =	vmul.f32 v53, v1;
	v3 =	vadd.f32 v4, v3;
	_ =	sdelay $0x1  }
0xd9: {  	v3 =	vadd.f32 v54, v3;
	_ =	sdelay $0x1  }
0xda: {  	[tilespmem:s26+$0xFFFFFFE0] =	vst v3  }
0xdb: {  	v3 =	vld [tilespmem:s25+$0xFFFFFF70]  }
0xdc: {  	v55 =	vld [tilespmem:s25+$0xFFFFFFF0];
	_ =	sdelay $0x1  }
0xdd: {  	v56 =	vld [tilespmem:s25+$0x70];
	_ =	sdelay $0x2  }
0xde: {  	v3 =	vmul.f32 v3, v0;
	v4 =	vmul.f32 v55, v2;
	_ =	sdelay $0x1  }
0xdf: {  	v5 =	vmul.f32 v56, v1;
	v3 =	vadd.f32 v4, v3;
	_ =	sdelay $0x1  }
0xe0: {  	v3 =	vadd.f32 v5, v3;
	_ =	sdelay $0x1  }
0xe1: {  	[tilespmem:s26+$0xFFFFFFF0] =	vst v3  }
0xe2: {  	v3 =	vld [tilespmem:s25+$0xFFFFFF80]  }
0xe3: {  	v57 =	vld [tilespmem:s25+$0x0];
	_ =	sdelay $0x1  }
0xe4: {  	v58 =	vld [tilespmem:s25+$0x80];
	_ =	sdelay $0x2  }
0xe5: {  	v3 =	vmul.f32 v3, v0;
	v4 =	vmul.f32 v57, v2;
	_ =	sdelay $0x1  }
0xe6: {  	v59 =	vmul.f32 v58, v1;
	v3 =	vadd.f32 v4, v3;
	_ =	sdelay $0x1  }
0xe7: {  	v3 =	vadd.f32 v59, v3;
	_ =	sdelay $0x1  }
0xe8: {  	[tilespmem:s26+$0x0] =	vst v3  }
0xe9: {  	v3 =	vld [tilespmem:s25+$0xFFFFFF90]  }
0xea: {  	v60 =	vld [tilespmem:s25+$0x10];
	_ =	sdelay $0x1  }
0xeb: {  	v61 =	vld [tilespmem:s25+$0x90];
	_ =	sdelay $0x2  }
0xec: {  	v3 =	vmul.f32 v3, v0;
	v4 =	vmul.f32 v60, v2;
	_ =	sdelay $0x1  }
0xed: {  	v5 =	vmul.f32 v61, v1;
	v3 =	vadd.f32 v4, v3;
	_ =	sdelay $0x1  }
0xee: {  	v3 =	vadd.f32 v5, v3;
	_ =	sdelay $0x1  }
0xef: {  	[tilespmem:s26+$0x10] =	vst v3  }
0xf0: {  	v3 =	vld [tilespmem:s25+$0xFFFFFFA0]  }
0xf1: {  	v62 =	vld [tilespmem:s25+$0x20];
	_ =	sdelay $0x1  }
0xf2: {  	v63 =	vld [tilespmem:s25+$0xA0];
	_ =	sdelay $0x2  }
0xf3: {  	v3 =	vmul.f32 v3, v0;
	v4 =	vmul.f32 v62, v2;
	_ =	sdelay $0x1  }
0xf4: {  	v5 =	vmul.f32 v63, v1;
	v3 =	vadd.f32 v4, v3;
	_ =	sdelay $0x1  }
0xf5: {  	v3 =	vadd.f32 v5, v3;
	_ =	sdelay $0x1  }
0xf6: {  	s29 =	simm.s32 $0xC;
	s30 =	simm.s32 $0xC7C0;
	s28 =	simm.s32 $0x18740;
	[tilespmem:s26+$0x20] =	vst v3  }
.LBB2_5:
0xf7: {  	p0 =	sne.s32 s29, $0x5F4;
	v3 =	vld [tilespmem:s25+$0x30];
	s26 =	sadd.s32 $0x80, s26;
	s30 =	sadd.s32 $0x180, s30  }
0xf8: {  	s31 =	smov.u32 s29;
	s29 =	sadd.s32 $0xC, s29;
	v4 =	vld [tilespmem:s25+$0xFFFFFFB0]  }
0xf9: {  	v5 =	vld [tilespmem:s25+$0xB0];
	s25 =	smov.u32 s30;
	_ =	sdelay $0x2  }
0xfa: {  	v2 =	vmul.f32 v3, v2  }
0xfb: {  	v0 =	vmul.f32 v4, v0  }
0xfc: {  	s31 =	sshra.s32 s31, $0x2;
	v1 =	vmul.f32 v5, v1  }
0xfd: {  	v0 =	vadd.f32 v2, v0;
	_ =	sdelay $0x1  }
0xfe: {  	v0 =	vadd.f32 v1, v0;
	_ =	sdelay $0x1  }
0xff: {  	[tilespmem:s28+$0x30] =	vst v0;
	s28 =	smov.u32 s26  }
0x100: {  	v1 =	vld [tilespmem:s31+$0x500]  }
0x101: {  	v3 =	vld [tilespmem:s30+$0xFFFFFF40]  }
0x102: {  	v4 =	vld [tilespmem:s30+$0xFFFFFFC0];
	_ =	sdelay $0x1  }
0x103: {  	v5 =	vld [tilespmem:s30+$0x40]  }
0x104: {  	v0 =	vbroadcast v1, $0x0;
	v2 =	vbroadcast v1, $0x1  }
0x105: {  	v1 =	vbroadcast v1, $0x2  }
0x106: {  	v3 =	vmul.f32 v0, v3;
	v4 =	vmul.f32 v4, v2;
	_ =	sdelay $0x1  }
0x107: {  	v3 =	vadd.f32 v4, v3;
	v4 =	vmul.f32 v5, v1;
	_ =	sdelay $0x1  }
0x108: {  	v3 =	vadd.f32 v4, v3;
	_ =	sdelay $0x1  }
0x109: {  	[tilespmem:s26+$0xFFFFFFC0] =	vst v3  }
0x10a: {  	v3 =	vld [tilespmem:s30+$0xFFFFFF50]  }
0x10b: {  	v4 =	vld [tilespmem:s30+$0xFFFFFFD0]  }
0x10c: {  	v5 =	vld [tilespmem:s30+$0x50];
	_ =	sdelay $0x2  }
0x10d: {  	v3 =	vmul.f32 v3, v0  }
0x10e: {  	v4 =	vmul.f32 v4, v2  }
0x10f: {  	v5 =	vmul.f32 v5, v1  }
0x110: {  	v3 =	vadd.f32 v4, v3;
	_ =	sdelay $0x1  }
0x111: {  	v3 =	vadd.f32 v5, v3;
	_ =	sdelay $0x1  }
0x112: {  	[tilespmem:s26+$0xFFFFFFD0] =	vst v3  }
0x113: {  	v3 =	vld [tilespmem:s30+$0xFFFFFF60]  }
0x114: {  	v4 =	vld [tilespmem:s30+$0xFFFFFFE0];
	_ =	sdelay $0x1  }
0x115: {  	v5 =	vld [tilespmem:s30+$0x60];
	_ =	sdelay $0x1  }
0x116: {  	v3 =	vmul.f32 v3, v0  }
0x117: {  	v4 =	vmul.f32 v4, v2;
	_ =	sdelay $0x1  }
0x118: {  	v3 =	vadd.f32 v4, v3;
	v4 =	vmul.f32 v5, v1;
	_ =	sdelay $0x1  }
0x119: {  	v3 =	vadd.f32 v4, v3;
	_ =	sdelay $0x1  }
0x11a: {  	[tilespmem:s26+$0xFFFFFFE0] =	vst v3  }
0x11b: {  	v3 =	vld [tilespmem:s30+$0xFFFFFF70]  }
0x11c: {  	v4 =	vld [tilespmem:s30+$0xFFFFFFF0]  }
0x11d: {  	v5 =	vld [tilespmem:s30+$0x70];
	_ =	sdelay $0x2  }
0x11e: {  	v3 =	vmul.f32 v3, v0  }
0x11f: {  	v4 =	vmul.f32 v4, v2  }
0x120: {  	v5 =	vmul.f32 v5, v1  }
0x121: {  	v3 =	vadd.f32 v4, v3;
	_ =	sdelay $0x1  }
0x122: {  	v3 =	vadd.f32 v5, v3;
	_ =	sdelay $0x1  }
0x123: {  	[tilespmem:s26+$0xFFFFFFF0] =	vst v3  }
0x124: {  	v3 =	vld [tilespmem:s30+$0xFFFFFF80]  }
0x125: {  	v4 =	vld [tilespmem:s30+$0x0];
	_ =	sdelay $0x1  }
0x126: {  	v5 =	vld [tilespmem:s30+$0x80];
	_ =	sdelay $0x1  }
0x127: {  	v3 =	vmul.f32 v3, v0  }
0x128: {  	v4 =	vmul.f32 v4, v2;
	_ =	sdelay $0x1  }
0x129: {  	v3 =	vadd.f32 v4, v3;
	v4 =	vmul.f32 v5, v1;
	_ =	sdelay $0x1  }
0x12a: {  	v3 =	vadd.f32 v4, v3;
	_ =	sdelay $0x1  }
0x12b: {  	[tilespmem:s26+$0x0] =	vst v3  }
0x12c: {  	v3 =	vld [tilespmem:s30+$0xFFFFFF90]  }
0x12d: {  	v4 =	vld [tilespmem:s30+$0x10]  }
0x12e: {  	v5 =	vld [tilespmem:s30+$0x90];
	_ =	sdelay $0x2  }
0x12f: {  	v3 =	vmul.f32 v3, v0  }
0x130: {  	v4 =	vmul.f32 v4, v2  }
0x131: {  	v5 =	vmul.f32 v5, v1  }
0x132: {  	v3 =	vadd.f32 v4, v3;
	_ =	sdelay $0x1  }
0x133: {  	v3 =	vadd.f32 v5, v3;
	_ =	sdelay $0x1  }
0x134: {  	[tilespmem:s26+$0x10] =	vst v3  }
0x135: {  	v3 =	vld [tilespmem:s30+$0xFFFFFFA0]  }
0x136: {  	v4 =	vld [tilespmem:s30+$0x20]  }
0x137: {  	v5 =	vld [tilespmem:s30+$0xA0];
	_ =	sdelay $0x2  }
0x138: {  	v3 =	vmul.f32 v3, v0  }
0x139: {  	v4 =	vmul.f32 v4, v2  }
0x13a: {  	v5 =	vmul.f32 v5, v1  }
.Ltmp1:
0x13b: {  	v3 =	vadd.f32 v4, v3;
	(pc) =	sbr.rel @p0 .LBB2_5-.Ltmp1, $3  }
0x13c: {  	_ = 	snop  }
0x13d: {  	v3 =	vadd.f32 v5, v3;
	_ =	sdelay $0x1  }
0x13e: {  	[tilespmem:s26+$0x20] =	vst v3  }
0x13f: {  	v3 =	vld [tilespmem:s25+$0x30]  }
0x140: {  	v4 =	vld [tilespmem:s25+$0xFFFFFFB0];
	_ =	sdelay $0x1  }
0x141: {  	v5 =	vld [tilespmem:s25+$0xB0];
	_ =	sdelay $0x2  }
0x142: {  	v2 =	vmul.f32 v3, v2;
	v0 =	vmul.f32 v4, v0;
	_ =	sdelay $0x1  }
0x143: {  	v1 =	vmul.f32 v5, v1;
	v0 =	vadd.f32 v2, v0;
	_ =	sdelay $0x1  }
0x144: {  	s23 =	sadd.s32 $0x1, s23;
	v0 =	vadd.f32 v1, v0  }
0x145: {  	s24 =	sshll.u32 s24, $0x4;
	p0 =	sne.s32 s23, $0x4  }
.Ltmp2:
0x146: {  	s24 =	sadd.s32 s6, s24;
	[tilespmem:s28+$0x30] =	vst v0;
	(pc) =	sbr.rel @p0 .LBB2_2-.Ltmp2, $4  }
0x147: {  	[hbm4b:s24+s4] =	stream.linear.scatter [tilespmem:s20], [sflag:$0x3], $0x4000, $0x38;
	[tilespmem:$0x1C700] =	vst v63  }
0x148: {  	_ =	swait.ge [sflag:s13], $0x4000  }
0x149: {  	[sflag:s13] =	ssyncset.done $0x0  }
0x14a: {  	[sflag:s13] =	ssyncadd.s32 $0xFFFFC000  }
0x14b: {  	s22 =	sadd.s32 $0x1, s22  }
0x14c: {  	p0 =	sne.s32 s22, s12  }
.Ltmp3:
0x14d: {  	_ = 	snop;
	(pc) =	sbr.rel @p0 .LBB2_1-.Ltmp3, $4  }
0x14e: {  	_ = 	snop  }
0x14f: {  	_ =	swait.ge [sflag:s19], $0xC000  }
0x150: {  	[sflag:s19] =	ssyncset.done $0x0  }
0x151: {  	[sflag:s19] =	ssyncadd.s32 $0xFFFF4000  }
0x152: {  	_ =	sfence.sel $0x180000  }
0x153: {  	[bflag:$0x0] =	sbarrier.arrive $0xFFFF  }
0x154: {  	p0 =	sne.s32 s2, $0x0;
	_ =	strace $0x90000047  }
0x155: {  	s0 =	sadd.s32 @!p0 $0x100000, s0;
	[bflag:$0x2] =	sbarrier.arrive $0xFFFF  }
0x156: {  	[sflag:s0] =	ssyncadd.tile.s32 @!p0 $0x1;
	_ =	shalt  }
.Lfunc_end2:
_tile_overlayer_lowered:
.L_overlay_start_2:
0x157: {  	(tag) =	ssettag $0x2  }
0x158: {  	s0 =	rddreg [dreg:$0x0];
	s2 =	stileid.u32  }
0x159: {  	s1 =	rddreg [dreg:$0x1];
	p0 =	sne.s32 s2, $0x0  }
0x15a: {  	s3 =	rddreg [dreg:$0x2];
	[bflag:$0x3] =	sbarrier.arrive $0xFFFF;
	s2 =	simm.s32 @!p0 $0x1C03  }
0x15b: {  	[timem:s3], [sflag:s2] =	dma.local @!p0 [hbm:s0], s1  }
0x15c: {  	s0 =	simm.s32 @!p0 $0x3  }
0x15d: {  	_ =	swait.ge @!p0 [sflag:s0], s1  }
0x15e: {  	s1 =	ssub.s32 @!p0 $0x0, s1;
	[sflag:s0] =	ssyncset.done @!p0 $0x0  }
0x15f: {  	[sflag:s0] =	ssyncadd.s32 @!p0 s1  }
0x160: {  	[bflag:$0x3] =	sbarrier.arrive $0xFFFF  }
0x161: {  	_ =	shalt  }

</sc_bundles>
